<compile_context>
chip_gen: v7x
topology: tpu7x:2x2x1
jax: 0.10.2.dev20260603
libtpu: 0.0.44.dev20260713+nightly
codegen_flags: <defaults>
</compile_context>

<pallas_src>
import functools
import math

import jax
import jax.numpy as jnp
from jax import lax
from jax.experimental import pallas as pl
from jax.experimental.pallas import tpu as pltpu
from jax.experimental.pallas import tpu_sc as plsc

_NC = 2
_NS = 16
_NW = _NC * _NS
_CHUNK = 128
_CG = 160
_LCM = math.lcm(2 * _CG, _CHUNK)
_BLK = 1024


def _sc_mesh():
    return plsc.VectorSubcoreMesh(core_axis_name="c", subcore_axis_name="s")


def _sc_degree(rowp3, ones_d, zeros_d, np_, nch, d):
    stripe = np_ // _NS

    @functools.partial(
        pl.kernel,
        out_type=jax.ShapeDtypeStruct((_NC * np_, d), jnp.float32),
        mesh=_sc_mesh(),
        scratch_types=[
            pltpu.VMEM((nch, _CHUNK), jnp.int32),
            pltpu.VMEM((_CHUNK, d), jnp.float32),
            pltpu.VMEM_SHARED((np_, d), jnp.float32),
        ],
    )
    def k(row_hbm, ones_hbm, zeros_hbm, out_hbm, idx_v, ones_v, agg_sh):
        cid = lax.axis_index("c")
        sid = lax.axis_index("s")
        wid = sid * _NC + cid
        pltpu.sync_copy(row_hbm.at[wid], idx_v)
        pltpu.sync_copy(ones_hbm, ones_v)
        pltpu.sync_copy(zeros_hbm.at[pl.ds(sid * stripe, stripe)],
                        agg_sh.at[pl.ds(sid * stripe, stripe)])
        plsc.subcore_barrier()

        @pl.loop(0, nch)
        def _(j):
            pltpu.sync_copy(ones_v, agg_sh.at[idx_v.at[j]], add=True)

        plsc.subcore_barrier()
        pltpu.sync_copy(agg_sh.at[pl.ds(sid * stripe, stripe)],
                        out_hbm.at[pl.ds(cid * np_ + sid * stripe, stripe)])

    return k(rowp3, ones_d, zeros_d).reshape(_NC, np_, d)


def _sc_spmm(rowp, colp, x, zeros_d, np_, ept, d):
    stripe = np_ // _NS
    nch = ept // _CG

    @functools.partial(
        pl.kernel,
        out_type=jax.ShapeDtypeStruct((_NC * np_, d), jnp.float32),
        mesh=_sc_mesh(),
        scratch_types=[
            pltpu.VMEM((_CG,), jnp.int32), pltpu.VMEM((_CG,), jnp.int32),
            pltpu.VMEM((_CG,), jnp.int32), pltpu.VMEM((_CG,), jnp.int32),
            pltpu.VMEM((2, _CG, d), jnp.float32),
        ] + [pltpu.SemaphoreType.DMA] * 6 + [
            pltpu.VMEM_SHARED((np_, d), jnp.float32),
        ],
    )
    def k(row_hbm, col_hbm, x_hbm, zeros_hbm, out_hbm,
          c0, r0, c1, r1, rows_v, *rest):
        sc0, sr0, sc1, sr1, sg0, sg1 = rest[:6]
        agg_sh = rest[6]
        cid = lax.axis_index("c")
        sid = lax.axis_index("s")
        wid = sid * _NC + cid
        pltpu.sync_copy(zeros_hbm.at[pl.ds(sid * stripe, stripe)],
                        agg_sh.at[pl.ds(sid * stripe, stripe)])
        pltpu.async_copy(col_hbm.at[pl.ds(wid * ept, _CG)], c0, sc0)
        pltpu.async_copy(row_hbm.at[pl.ds(wid * ept, _CG)], r0, sr0)
        pltpu.async_copy(col_hbm.at[pl.ds(wid * ept + _CG, _CG)], c1, sc1)
        pltpu.async_copy(row_hbm.at[pl.ds(wid * ept + _CG, _CG)], r1, sr1)
        pltpu.make_async_copy(col_hbm.at[pl.ds(wid * ept, _CG)], c0,
                              sc0).wait()
        pltpu.async_copy(x_hbm.at[c0], rows_v.at[0], sg0)
        pltpu.make_async_copy(col_hbm.at[pl.ds(wid * ept, _CG)], c1,
                              sc1).wait()
        pltpu.async_copy(x_hbm.at[c1], rows_v.at[1], sg1)
        plsc.subcore_barrier()

        @pl.loop(0, nch, step=2)
        def _(j):
            pltpu.make_async_copy(x_hbm.at[c0], rows_v.at[0], sg0).wait()
            pltpu.make_async_copy(row_hbm.at[pl.ds(wid * ept, _CG)], r0,
                                  sr0).wait()
            pltpu.sync_copy(rows_v.at[0], agg_sh.at[r0], add=True)

            @pl.when(j + 2 < nch)
            def _():
                pltpu.async_copy(
                    col_hbm.at[pl.ds(wid * ept + (j + 2) * _CG, _CG)],
                    c0, sc0)
                pltpu.async_copy(
                    row_hbm.at[pl.ds(wid * ept + (j + 2) * _CG, _CG)],
                    r0, sr0)
                pltpu.make_async_copy(
                    col_hbm.at[pl.ds(wid * ept, _CG)], c0, sc0).wait()
                pltpu.async_copy(x_hbm.at[c0], rows_v.at[0], sg0)

            pltpu.make_async_copy(x_hbm.at[c1], rows_v.at[1], sg1).wait()
            pltpu.make_async_copy(row_hbm.at[pl.ds(wid * ept, _CG)], r1,
                                  sr1).wait()
            pltpu.sync_copy(rows_v.at[1], agg_sh.at[r1], add=True)

            @pl.when(j + 3 < nch)
            def _():
                pltpu.async_copy(
                    col_hbm.at[pl.ds(wid * ept + (j + 3) * _CG, _CG)],
                    c1, sc1)
                pltpu.async_copy(
                    row_hbm.at[pl.ds(wid * ept + (j + 3) * _CG, _CG)],
                    r1, sr1)
                pltpu.make_async_copy(
                    col_hbm.at[pl.ds(wid * ept, _CG)], c1, sc1).wait()
                pltpu.async_copy(x_hbm.at[c1], rows_v.at[1], sg1)

        plsc.subcore_barrier()
        pltpu.sync_copy(agg_sh.at[pl.ds(sid * stripe, stripe)],
                        out_hbm.at[pl.ds(cid * np_ + sid * stripe, stripe)])

    return k(rowp, colp, x, zeros_d).reshape(_NC, np_, d)


def _tc_prep(degp, p0, np_, d):
    def body(degp_ref, p0_ref, s_ref, x_ref):
        deg = degp_ref[0, :, 0:1] + degp_ref[1, :, 0:1]
        s = lax.rsqrt(deg + 1e-10)
        sb = jnp.broadcast_to(s, p0_ref.shape)
        s_ref[...] = sb
        x_ref[...] = p0_ref[...] * sb

    grid = (np_ // _BLK,)
    return pl.pallas_call(
        body,
        grid=grid,
        in_specs=[
            pl.BlockSpec((2, _BLK, d), lambda i: (0, i, 0)),
            pl.BlockSpec((_BLK, d), lambda i: (i, 0)),
        ],
        out_specs=[
            pl.BlockSpec((_BLK, d), lambda i: (i, 0)),
            pl.BlockSpec((_BLK, d), lambda i: (i, 0)),
        ],
        out_shape=[
            jax.ShapeDtypeStruct((np_, d), jnp.float32),
            jax.ShapeDtypeStruct((np_, d), jnp.float32),
        ],
    )(degp, p0)


def _tc_layer(partials, s, w, acc, scale, np_, d):
    def body(p_ref, s_ref, w_ref, acc_ref, accout_ref, x_ref):
        u = p_ref[0] + p_ref[1]
        m = jnp.dot(u, w_ref[...], preferred_element_type=jnp.float32)
        sv = s_ref[...]
        t = jnp.maximum(sv * m, 0.0)
        accout_ref[...] = (acc_ref[...] + t) * scale
        x_ref[...] = sv * t

    grid = (np_ // _BLK,)
    return pl.pallas_call(
        body,
        grid=grid,
        in_specs=[
            pl.BlockSpec((2, _BLK, d), lambda i: (0, i, 0)),
            pl.BlockSpec((_BLK, d), lambda i: (i, 0)),
            pl.BlockSpec((d, d), lambda i: (0, 0)),
            pl.BlockSpec((_BLK, d), lambda i: (i, 0)),
        ],
        out_specs=[
            pl.BlockSpec((_BLK, d), lambda i: (i, 0)),
            pl.BlockSpec((_BLK, d), lambda i: (i, 0)),
        ],
        out_shape=[
            jax.ShapeDtypeStruct((np_, d), jnp.float32),
            jax.ShapeDtypeStruct((np_, d), jnp.float32),
        ],
    )(partials, s, w, acc)


def kernel(edge_index, user_embeds, item_embeds, W):
    nu = user_embeds.shape[0]
    n = nu + item_embeds.shape[0]
    d = user_embeds.shape[1]
    e = edge_index.shape[1]
    nl = W.shape[0]

    ept = math.ceil(e / (_NW * _LCM)) * _LCM
    ep = ept * _NW
    np_ = math.ceil((n + 1) / _BLK) * _BLK

    row = edge_index[0]
    col = edge_index[1]
    pad = n + jnp.arange(ep - e, dtype=jnp.int32) % (np_ - n)
    rowp = jnp.concatenate([row, pad])
    colp = jnp.concatenate([col, pad])

    p0 = jnp.concatenate([user_embeds, item_embeds], axis=0)
    p0 = jnp.pad(p0, ((0, np_ - n), (0, 0)))

    nch = ept // _CHUNK
    rowp3 = rowp.reshape(_NW, nch, _CHUNK)

    zeros_d = jnp.zeros((np_, d), jnp.float32)
    ones_d = jnp.ones((_CHUNK, d), jnp.float32)

    degp = _sc_degree(rowp3, ones_d, zeros_d, np_, nch, d)
    s, x = _tc_prep(degp, p0, np_, d)

    acc = p0
    for layer in range(nl):
        partials = _sc_spmm(rowp, colp, x, zeros_d, np_, ept, d)
        scale = 1.0 / (nl + 1) if layer == nl - 1 else 1.0
        acc, x = _tc_layer(partials, s, W[layer], acc, scale, np_, d)

    return acc[:nu], acc[nu:n]

# --- scband reference (transcript-rebuilt; emitter-appended) ---
"""Pipeline reference for scband-ngcf-70403103916221 (READ-ONLY COPY).

The authoritative reference and input builder live on the scoring server;
editing this copy changes nothing except your own understanding.
"""

import jax, jax.numpy as jnp
import numpy as np

NUM_USER = 5000
NUM_ITEM = 5000
N_NODES = NUM_USER + NUM_ITEM
N_EDGES = 320000
EMBED_DIM = 128
N_LAYERS = 3


def setup_inputs(seed: int = 0) -> dict:
    key = jax.random.key(seed)
    k1, k2, k3, k4 = jax.random.split(key, 4)
    # edge_index of the full (user+item) x (user+item) normalized adjacency A.
    # (int32 used since default jax runs without x64; values are identical in-range indices)
    edge_index = jax.random.randint(k1, (2, N_EDGES), 0, N_NODES, dtype=jnp.int32)
    scale = 1.0 / np.sqrt(EMBED_DIM)
    user_embeds = jax.random.normal(k2, (NUM_USER, EMBED_DIM), dtype=jnp.float32) * scale
    item_embeds = jax.random.normal(k3, (NUM_ITEM, EMBED_DIM), dtype=jnp.float32) * scale
    # Stacked per-layer Linear weights (bias=False in the original module)
    W = jax.random.normal(k4, (N_LAYERS, EMBED_DIM, EMBED_DIM), dtype=jnp.float32) * scale
    return {"edge_index": edge_index, "user_embeds": user_embeds, "item_embeds": item_embeds, "W": W}


def reference(edge_index, user_embeds, item_embeds, W):
    num_user = user_embeds.shape[0]
    n_nodes = num_user + item_embeds.shape[0]
    row = edge_index[0]
    col = edge_index[1]
    # Symmetric degree normalization D^-1/2 A D^-1/2 computed from edge list
    # (matches the scipy preprocessing in __init__; A data values are 1.0)
    deg = jnp.zeros((n_nodes,), dtype=jnp.float32).at[row].add(1.0)
    d_inv_sqrt = jnp.power(deg + 1e-10, -0.5)
    vals = d_inv_sqrt[row] * d_inv_sqrt[col]
    embeds = jnp.concatenate([user_embeds, item_embeds], axis=0)
    all_embeddings = [embeds]
    for layer in range(W.shape[0]):
        prev = all_embeddings[-1]
        # torch.spmm(adj, prev): gather source rows, scale by edge value, scatter-add to dst
        msgs = vals[:, None] * jnp.take(prev, col, axis=0)
        agg = jax.ops.segment_sum(msgs, row, num_segments=n_nodes)
        transformed = jax.nn.relu(agg @ W[layer])
        # dropout p=0.0 (inference) -> identity
        all_embeddings.append(transformed)
    stacked = jnp.stack(all_embeddings, axis=1)
    final_embeddings = jnp.mean(stacked, axis=1)
    return (final_embeddings[:num_user], final_embeddings[num_user:])

if __name__ == "__main__":
    import jax
    _d = setup_inputs()
    print(jax.jit(kernel)(*tuple(_d.values())))

</pallas_src>

<mosaic_0001>
#map = affine_map<(d0, d1) -> (0)>
#map1 = affine_map<(d0, d1) -> (0, 0)>
module attributes {stable_mosaic.version = 14 : i64} {
  func.func @k(%arg0: i32, %arg1: i32, %arg2: memref<327680xi32, #tpu.memory_space<hbm>>, %arg3: memref<327680xi32, #tpu.memory_space<hbm>>, %arg4: memref<10240x128xf32, #tpu.memory_space<hbm>>, %arg5: memref<10240x128xf32, #tpu.memory_space<hbm>>, %arg6: memref<20480x128xf32, #tpu.memory_space<hbm>>, %arg7: memref<160xi32, #tpu.memory_space<vmem>>, %arg8: memref<160xi32, #tpu.memory_space<vmem>>, %arg9: memref<160xi32, #tpu.memory_space<vmem>>, %arg10: memref<160xi32, #tpu.memory_space<vmem>>, %arg11: memref<2x160x128xf32, #tpu.memory_space<vmem>>, %arg12: memref<!tpu.dma_semaphore, #tpu.memory_space<semaphore_mem>>, %arg13: memref<!tpu.dma_semaphore, #tpu.memory_space<semaphore_mem>>, %arg14: memref<!tpu.dma_semaphore, #tpu.memory_space<semaphore_mem>>, %arg15: memref<!tpu.dma_semaphore, #tpu.memory_space<semaphore_mem>>, %arg16: memref<!tpu.dma_semaphore, #tpu.memory_space<semaphore_mem>>, %arg17: memref<!tpu.dma_semaphore, #tpu.memory_space<semaphore_mem>>, %arg18: memref<10240x128xf32, #tpu.memory_space<vmem_shared>>) attributes {dimension_semantics = [#tpu.dimension_semantics<core_parallel>, #tpu.dimension_semantics<subcore_parallel>], iteration_bounds = array<i64: 2, 16>, scalar_prefetch = 0 : i64, scratch_operands = 12 : i64, tpu.core_type = #tpu.core_type<sc_vector_subcore>, window_params = [{transform_indices = #map}, {transform_indices = #map}, {transform_indices = #map1}, {transform_indices = #map1}, {transform_indices = #map1}]} {
    %mul3A = arith.constant 2 : i32
    %mul3A_0 = arith.muli %arg1, %mul3A : i32
    %add3A = arith.addi %mul3A_0, %arg0 : i32
    %mul3A_1 = arith.constant 640 : i32
    %mul3A_2 = arith.muli %arg1, %mul3A_1 : i32
    %mul3A_3 = arith.constant 640 : i32
    %mul3A_4 = arith.muli %arg1, %mul3A_3 : i32
    "tpu.region"() ({
      %run_scoped3A = tpu.sem_alloc : memref<!tpu.dma_semaphore, #tpu.memory_space<semaphore_mem>>
      %dma_start3A_59 = arith.constant 0 : i32
      %dma_start3A_60 = tpu.memref_slice %arg18[%mul3A_4, %dma_start3A_59] : memref<10240x128xf32, #tpu.memory_space<vmem_shared>> -> memref<640x128xf32, #tpu.memory_space<vmem_shared>>
      %dma_start3A_61 = arith.constant 0 : i32
      %dma_start3A_62 = tpu.memref_slice %arg5[%mul3A_2, %dma_start3A_61] : memref<10240x128xf32, #tpu.memory_space<hbm>> -> memref<640x128xf32, #tpu.memory_space<hbm>>
      tpu.enqueue_dma source(%dma_start3A_62 : memref<640x128xf32, #tpu.memory_space<hbm>>) target(%dma_start3A_60 : memref<640x128xf32, #tpu.memory_space<vmem_shared>>) target_semaphore(%run_scoped3A : memref<!tpu.dma_semaphore, #tpu.memory_space<semaphore_mem>>)
      %dma_wait3A_63 = arith.constant 0 : i32
      %dma_wait3A_64 = tpu.memref_slice %arg18[%mul3A_4, %dma_wait3A_63] : memref<10240x128xf32, #tpu.memory_space<vmem_shared>> -> memref<640x128xf32, #tpu.memory_space<vmem_shared>>
      %dma_wait3A_65 = arith.constant 0 : i32
      %dma_wait3A_66 = tpu.memref_slice %arg5[%mul3A_2, %dma_wait3A_65] : memref<10240x128xf32, #tpu.memory_space<hbm>> -> memref<640x128xf32, #tpu.memory_space<hbm>>
      tpu.wait_dma2 semaphore(%run_scoped3A : memref<!tpu.dma_semaphore, #tpu.memory_space<semaphore_mem>>) src(%dma_wait3A_66 : memref<640x128xf32, #tpu.memory_space<hbm>>) dst(%dma_wait3A_64 : memref<640x128xf32, #tpu.memory_space<vmem_shared>>)
      tpu.yield
    }) : () -> ()
    %mul3A_5 = arith.constant 10240 : i32
    %mul3A_6 = arith.muli %add3A, %mul3A_5 : i32
    %dma_start3A = tpu.memref_slice %arg3[%mul3A_6] : memref<327680xi32, #tpu.memory_space<hbm>> -> memref<160xi32, #tpu.memory_space<hbm>>
    %dma_start3A_7 = tpu.memref_slice %arg3[%mul3A_6] : memref<327680xi32, #tpu.memory_space<hbm>> -> memref<160xi32, #tpu.memory_space<hbm>>
    tpu.enqueue_dma source(%dma_start3A_7 : memref<160xi32, #tpu.memory_space<hbm>>) target(%arg7 : memref<160xi32, #tpu.memory_space<vmem>>) target_semaphore(%arg12 : memref<!tpu.dma_semaphore, #tpu.memory_space<semaphore_mem>>)
    %mul3A_8 = arith.constant 10240 : i32
    %mul3A_9 = arith.muli %add3A, %mul3A_8 : i32
    %dma_start3A_10 = tpu.memref_slice %arg2[%mul3A_9] : memref<327680xi32, #tpu.memory_space<hbm>> -> memref<160xi32, #tpu.memory_space<hbm>>
    %dma_start3A_11 = tpu.memref_slice %arg2[%mul3A_9] : memref<327680xi32, #tpu.memory_space<hbm>> -> memref<160xi32, #tpu.memory_space<hbm>>
    tpu.enqueue_dma source(%dma_start3A_11 : memref<160xi32, #tpu.memory_space<hbm>>) target(%arg8 : memref<160xi32, #tpu.memory_space<vmem>>) target_semaphore(%arg13 : memref<!tpu.dma_semaphore, #tpu.memory_space<semaphore_mem>>)
    %mul3A_12 = arith.constant 10240 : i32
    %mul3A_13 = arith.muli %add3A, %mul3A_12 : i32
    %add3A_14 = arith.constant 160 : i32
    %add3A_15 = arith.addi %mul3A_13, %add3A_14 : i32
    %dma_start3A_16 = tpu.memref_slice %arg3[%add3A_15] : memref<327680xi32, #tpu.memory_space<hbm>> -> memref<160xi32, #tpu.memory_space<hbm>>
    %dma_start3A_17 = tpu.memref_slice %arg3[%add3A_15] : memref<327680xi32, #tpu.memory_space<hbm>> -> memref<160xi32, #tpu.memory_space<hbm>>
    tpu.enqueue_dma source(%dma_start3A_17 : memref<160xi32, #tpu.memory_space<hbm>>) target(%arg9 : memref<160xi32, #tpu.memory_space<vmem>>) target_semaphore(%arg14 : memref<!tpu.dma_semaphore, #tpu.memory_space<semaphore_mem>>)
    %mul3A_18 = arith.constant 10240 : i32
    %mul3A_19 = arith.muli %add3A, %mul3A_18 : i32
    %add3A_20 = arith.constant 160 : i32
    %add3A_21 = arith.addi %mul3A_19, %add3A_20 : i32
    %dma_start3A_22 = tpu.memref_slice %arg2[%add3A_21] : memref<327680xi32, #tpu.memory_space<hbm>> -> memref<160xi32, #tpu.memory_space<hbm>>
    %dma_start3A_23 = tpu.memref_slice %arg2[%add3A_21] : memref<327680xi32, #tpu.memory_space<hbm>> -> memref<160xi32, #tpu.memory_space<hbm>>
    tpu.enqueue_dma source(%dma_start3A_23 : memref<160xi32, #tpu.memory_space<hbm>>) target(%arg10 : memref<160xi32, #tpu.memory_space<vmem>>) target_semaphore(%arg15 : memref<!tpu.dma_semaphore, #tpu.memory_space<semaphore_mem>>)
    %mul3A_24 = arith.constant 10240 : i32
    %mul3A_25 = arith.muli %add3A, %mul3A_24 : i32
    %dma_wait3A = tpu.memref_slice %arg3[%mul3A_25] : memref<327680xi32, #tpu.memory_space<hbm>> -> memref<160xi32, #tpu.memory_space<hbm>>
    %dma_wait3A_26 = tpu.memref_slice %arg3[%mul3A_25] : memref<327680xi32, #tpu.memory_space<hbm>> -> memref<160xi32, #tpu.memory_space<hbm>>
    tpu.wait_dma2 semaphore(%arg12 : memref<!tpu.dma_semaphore, #tpu.memory_space<semaphore_mem>>) src(%dma_wait3A_26 : memref<160xi32, #tpu.memory_space<hbm>>) dst(%arg7 : memref<160xi32, #tpu.memory_space<vmem>>)
    %dma_start3A_27 = arith.constant 0 : i32
    %dma_start3A_28 = arith.constant 0 : i32
    %dma_start3A_29 = arith.constant 0 : i32
    %dma_start3A_30 = tpu.memref_slice %arg11[%dma_start3A_27, %dma_start3A_28, %dma_start3A_29] : memref<2x160x128xf32, #tpu.memory_space<vmem>> -> memref<1x160x128xf32, #tpu.memory_space<vmem>>
    %dma_start3A_31 = tpu.memref_squeeze %dma_start3A_30 : memref<1x160x128xf32, #tpu.memory_space<vmem>> -> memref<160x128xf32, #tpu.memory_space<vmem>>
    %dma_start3A_32 = arith.constant 0 : i32
    %dma_start3A_33 = arith.constant 0 : i32
    %dma_start3A_34 = tpu.memref_slice %arg4[%dma_start3A_32, %dma_start3A_33] : memref<10240x128xf32, #tpu.memory_space<hbm>> -> memref<10240x128xf32, #tpu.memory_space<hbm>>
    tpu.enqueue_indirect_dma source(%dma_start3A_34 : memref<10240x128xf32, #tpu.memory_space<hbm>>) target(%dma_start3A_31 : memref<160x128xf32, #tpu.memory_space<vmem>>) offsets(%arg7 : memref<160xi32, #tpu.memory_space<vmem>>) semaphore(%arg16 : memref<!tpu.dma_semaphore, #tpu.memory_space<semaphore_mem>>)
    %mul3A_35 = arith.constant 10240 : i32
    %mul3A_36 = arith.muli %add3A, %mul3A_35 : i32
    %dma_wait3A_37 = tpu.memref_slice %arg3[%mul3A_36] : memref<327680xi32, #tpu.memory_space<hbm>> -> memref<160xi32, #tpu.memory_space<hbm>>
    %dma_wait3A_38 = tpu.memref_slice %arg3[%mul3A_36] : memref<327680xi32, #tpu.memory_space<hbm>> -> memref<160xi32, #tpu.memory_space<hbm>>
    tpu.wait_dma2 semaphore(%arg14 : memref<!tpu.dma_semaphore, #tpu.memory_space<semaphore_mem>>) src(%dma_wait3A_38 : memref<160xi32, #tpu.memory_space<hbm>>) dst(%arg9 : memref<160xi32, #tpu.memory_space<vmem>>)
    %dma_start3A_39 = arith.constant 1 : i32
    %dma_start3A_40 = arith.constant 0 : i32
    %dma_start3A_41 = arith.constant 0 : i32
    %dma_start3A_42 = tpu.memref_slice %arg11[%dma_start3A_39, %dma_start3A_40, %dma_start3A_41] : memref<2x160x128xf32, #tpu.memory_space<vmem>> -> memref<1x160x128xf32, #tpu.memory_space<vmem>>
    %dma_start3A_43 = tpu.memref_squeeze %dma_start3A_42 : memref<1x160x128xf32, #tpu.memory_space<vmem>> -> memref<160x128xf32, #tpu.memory_space<vmem>>
    %dma_start3A_44 = arith.constant 0 : i32
    %dma_start3A_45 = arith.constant 0 : i32
    %dma_start3A_46 = tpu.memref_slice %arg4[%dma_start3A_44, %dma_start3A_45] : memref<10240x128xf32, #tpu.memory_space<hbm>> -> memref<10240x128xf32, #tpu.memory_space<hbm>>
    tpu.enqueue_indirect_dma source(%dma_start3A_46 : memref<10240x128xf32, #tpu.memory_space<hbm>>) target(%dma_start3A_43 : memref<160x128xf32, #tpu.memory_space<vmem>>) offsets(%arg9 : memref<160xi32, #tpu.memory_space<vmem>>) semaphore(%arg17 : memref<!tpu.dma_semaphore, #tpu.memory_space<semaphore_mem>>)
    %barrier3A = arith.constant 0 : index
    tpu.barrier barrier_id(%barrier3A)
    %scan3A = arith.constant 0 : i32
    %scan3A_47 = arith.constant 32 : i32
    %scan3A_48 = arith.addi %scan3A, %scan3A_47 : i32
    %scan3A_49 = arith.constant 1 : i32
    scf.for %scan3A_59 = %scan3A to %scan3A_48 step %scan3A_49  : i32 {
      %mul3A_60 = arith.constant 2 : i32
      %mul3A_61 = arith.muli %scan3A_59, %mul3A_60 : i32
      %add3A_62 = arith.constant 0 : i32
      %add3A_63 = arith.addi %add3A_62, %mul3A_61 : i32
      %dma_wait3A_64 = arith.constant 0 : i32
      %dma_wait3A_65 = arith.constant 0 : i32
      %dma_wait3A_66 = arith.constant 0 : i32
      %dma_wait3A_67 = tpu.memref_slice %arg11[%dma_wait3A_64, %dma_wait3A_65, %dma_wait3A_66] : memref<2x160x128xf32, #tpu.memory_space<vmem>> -> memref<1x160x128xf32, #tpu.memory_space<vmem>>
      %dma_wait3A_68 = tpu.memref_squeeze %dma_wait3A_67 : memref<1x160x128xf32, #tpu.memory_space<vmem>> -> memref<160x128xf32, #tpu.memory_space<vmem>>
      %dma_wait3A_69 = arith.constant 0 : i32
      %dma_wait3A_70 = arith.constant 0 : i32
      %dma_wait3A_71 = tpu.memref_slice %arg4[%dma_wait3A_69, %dma_wait3A_70] : memref<10240x128xf32, #tpu.memory_space<hbm>> -> memref<10240x128xf32, #tpu.memory_space<hbm>>
      tpu.wait_indirect_dma semaphore(%arg16 : memref<!tpu.dma_semaphore, #tpu.memory_space<semaphore_mem>>) src(%dma_wait3A_71 : memref<10240x128xf32, #tpu.memory_space<hbm>>) dst(%dma_wait3A_68 : memref<160x128xf32, #tpu.memory_space<vmem>>)
      %mul3A_72 = arith.constant 10240 : i32
      %mul3A_73 = arith.muli %add3A, %mul3A_72 : i32
      %dma_wait3A_74 = tpu.memref_slice %arg2[%mul3A_73] : memref<327680xi32, #tpu.memory_space<hbm>> -> memref<160xi32, #tpu.memory_space<hbm>>
      %dma_wait3A_75 = tpu.memref_slice %arg2[%mul3A_73] : memref<327680xi32, #tpu.memory_space<hbm>> -> memref<160xi32, #tpu.memory_space<hbm>>
      tpu.wait_dma2 semaphore(%arg13 : memref<!tpu.dma_semaphore, #tpu.memory_space<semaphore_mem>>) src(%dma_wait3A_75 : memref<160xi32, #tpu.memory_space<hbm>>) dst(%arg8 : memref<160xi32, #tpu.memory_space<vmem>>)
      %run_scoped3A = arith.constant 0 : i32
      "tpu.region"() ({
        %run_scoped3A_100 = tpu.sem_alloc : memref<!tpu.dma_semaphore, #tpu.memory_space<semaphore_mem>>
        %dma_start3A_101 = arith.constant 0 : i32
        %dma_start3A_102 = arith.constant 0 : i32
        %dma_start3A_103 = tpu.memref_slice %arg11[%run_scoped3A, %dma_start3A_101, %dma_start3A_102] : memref<2x160x128xf32, #tpu.memory_space<vmem>> -> memref<1x160x128xf32, #tpu.memory_space<vmem>>
        %dma_start3A_104 = tpu.memref_squeeze %dma_start3A_103 : memref<1x160x128xf32, #tpu.memory_space<vmem>> -> memref<160x128xf32, #tpu.memory_space<vmem>>
        %dma_start3A_105 = arith.constant 0 : i32
        %dma_start3A_106 = arith.constant 0 : i32
        %dma_start3A_107 = tpu.memref_slice %arg18[%dma_start3A_105, %dma_start3A_106] : memref<10240x128xf32, #tpu.memory_space<vmem_shared>> -> memref<10240x128xf32, #tpu.memory_space<vmem_shared>>
        tpu.enqueue_indirect_dma source(%dma_start3A_104 : memref<160x128xf32, #tpu.memory_space<vmem>>) target(%dma_start3A_107 : memref<10240x128xf32, #tpu.memory_space<vmem_shared>>) offsets(%arg8 : memref<160xi32, #tpu.memory_space<vmem>>) semaphore(%run_scoped3A_100 : memref<!tpu.dma_semaphore, #tpu.memory_space<semaphore_mem>>) {add = true}
        %dma_wait3A_108 = arith.constant 0 : i32
        %dma_wait3A_109 = arith.constant 0 : i32
        %dma_wait3A_110 = tpu.memref_slice %arg11[%run_scoped3A, %dma_wait3A_108, %dma_wait3A_109] : memref<2x160x128xf32, #tpu.memory_space<vmem>> -> memref<1x160x128xf32, #tpu.memory_space<vmem>>
        %dma_wait3A_111 = tpu.memref_squeeze %dma_wait3A_110 : memref<1x160x128xf32, #tpu.memory_space<vmem>> -> memref<160x128xf32, #tpu.memory_space<vmem>>
        %dma_wait3A_112 = arith.constant 0 : i32
        %dma_wait3A_113 = arith.constant 0 : i32
        %dma_wait3A_114 = tpu.memref_slice %arg18[%dma_wait3A_112, %dma_wait3A_113] : memref<10240x128xf32, #tpu.memory_space<vmem_shared>> -> memref<10240x128xf32, #tpu.memory_space<vmem_shared>>
        tpu.wait_indirect_dma semaphore(%run_scoped3A_100 : memref<!tpu.dma_semaphore, #tpu.memory_space<semaphore_mem>>) src(%dma_wait3A_111 : memref<160x128xf32, #tpu.memory_space<vmem>>) dst(%dma_wait3A_114 : memref<10240x128xf32, #tpu.memory_space<vmem_shared>>)
        tpu.yield
      }) : () -> ()
      %add3A_76 = arith.constant 2 : i32
      %add3A_77 = arith.addi %add3A_63, %add3A_76 : i32
      %lt3A = arith.constant 64 : i32
      %lt3A_78 = arith.cmpi slt, %add3A_77, %lt3A : i32
      %convert_element_type3A = arith.extui %lt3A_78 : i1 to i32
      %cond3A = arith.constant 0 : i32
      %cond3A_79 = arith.cmpi ne, %convert_element_type3A, %cond3A : i32
      scf.if %cond3A_79 {
        %mul3A_100 = arith.constant 10240 : i32
        %mul3A_101 = arith.muli %add3A, %mul3A_100 : i32
        %add3A_102 = arith.constant 2 : i32
        %add3A_103 = arith.addi %add3A_63, %add3A_102 : i32
        %mul3A_104 = arith.constant 160 : i32
        %mul3A_105 = arith.muli %add3A_103, %mul3A_104 : i32
        %add3A_106 = arith.addi %mul3A_101, %mul3A_105 : i32
        %dma_start3A_107 = tpu.memref_slice %arg3[%add3A_106] : memref<327680xi32, #tpu.memory_space<hbm>> -> memref<160xi32, #tpu.memory_space<hbm>>
        %dma_start3A_108 = tpu.memref_slice %arg3[%add3A_106] : memref<327680xi32, #tpu.memory_space<hbm>> -> memref<160xi32, #tpu.memory_space<hbm>>
        tpu.enqueue_dma source(%dma_start3A_108 : memref<160xi32, #tpu.memory_space<hbm>>) target(%arg7 : memref<160xi32, #tpu.memory_space<vmem>>) target_semaphore(%arg12 : memref<!tpu.dma_semaphore, #tpu.memory_space<semaphore_mem>>)
        %mul3A_109 = arith.constant 10240 : i32
        %mul3A_110 = arith.muli %add3A, %mul3A_109 : i32
        %add3A_111 = arith.constant 2 : i32
        %add3A_112 = arith.addi %add3A_63, %add3A_111 : i32
        %mul3A_113 = arith.constant 160 : i32
        %mul3A_114 = arith.muli %add3A_112, %mul3A_113 : i32
        %add3A_115 = arith.addi %mul3A_110, %mul3A_114 : i32
        %dma_start3A_116 = tpu.memref_slice %arg2[%add3A_115] : memref<327680xi32, #tpu.memory_space<hbm>> -> memref<160xi32, #tpu.memory_space<hbm>>
        %dma_start3A_117 = tpu.memref_slice %arg2[%add3A_115] : memref<327680xi32, #tpu.memory_space<hbm>> -> memref<160xi32, #tpu.memory_space<hbm>>
        tpu.enqueue_dma source(%dma_start3A_117 : memref<160xi32, #tpu.memory_space<hbm>>) target(%arg8 : memref<160xi32, #tpu.memory_space<vmem>>) target_semaphore(%arg13 : memref<!tpu.dma_semaphore, #tpu.memory_space<semaphore_mem>>)
        %mul3A_118 = arith.constant 10240 : i32
        %mul3A_119 = arith.muli %add3A, %mul3A_118 : i32
        %dma_wait3A_120 = tpu.memref_slice %arg3[%mul3A_119] : memref<327680xi32, #tpu.memory_space<hbm>> -> memref<160xi32, #tpu.memory_space<hbm>>
        %dma_wait3A_121 = tpu.memref_slice %arg3[%mul3A_119] : memref<327680xi32, #tpu.memory_space<hbm>> -> memref<160xi32, #tpu.memory_space<hbm>>
        tpu.wait_dma2 semaphore(%arg12 : memref<!tpu.dma_semaphore, #tpu.memory_space<semaphore_mem>>) src(%dma_wait3A_121 : memref<160xi32, #tpu.memory_space<hbm>>) dst(%arg7 : memref<160xi32, #tpu.memory_space<vmem>>)
        %dma_start3A_122 = arith.constant 0 : i32
        %dma_start3A_123 = arith.constant 0 : i32
        %dma_start3A_124 = arith.constant 0 : i32
        %dma_start3A_125 = tpu.memref_slice %arg11[%dma_start3A_122, %dma_start3A_123, %dma_start3A_124] : memref<2x160x128xf32, #tpu.memory_space<vmem>> -> memref<1x160x128xf32, #tpu.memory_space<vmem>>
        %dma_start3A_126 = tpu.memref_squeeze %dma_start3A_125 : memref<1x160x128xf32, #tpu.memory_space<vmem>> -> memref<160x128xf32, #tpu.memory_space<vmem>>
        %dma_start3A_127 = arith.constant 0 : i32
        %dma_start3A_128 = arith.constant 0 : i32
        %dma_start3A_129 = tpu.memref_slice %arg4[%dma_start3A_127, %dma_start3A_128] : memref<10240x128xf32, #tpu.memory_space<hbm>> -> memref<10240x128xf32, #tpu.memory_space<hbm>>
        tpu.enqueue_indirect_dma source(%dma_start3A_129 : memref<10240x128xf32, #tpu.memory_space<hbm>>) target(%dma_start3A_126 : memref<160x128xf32, #tpu.memory_space<vmem>>) offsets(%arg7 : memref<160xi32, #tpu.memory_space<vmem>>) semaphore(%arg16 : memref<!tpu.dma_semaphore, #tpu.memory_space<semaphore_mem>>)
      } else {
      }
      %dma_wait3A_80 = arith.constant 1 : i32
      %dma_wait3A_81 = arith.constant 0 : i32
      %dma_wait3A_82 = arith.constant 0 : i32
      %dma_wait3A_83 = tpu.memref_slice %arg11[%dma_wait3A_80, %dma_wait3A_81, %dma_wait3A_82] : memref<2x160x128xf32, #tpu.memory_space<vmem>> -> memref<1x160x128xf32, #tpu.memory_space<vmem>>
      %dma_wait3A_84 = tpu.memref_squeeze %dma_wait3A_83 : memref<1x160x128xf32, #tpu.memory_space<vmem>> -> memref<160x128xf32, #tpu.memory_space<vmem>>
      %dma_wait3A_85 = arith.constant 0 : i32
      %dma_wait3A_86 = arith.constant 0 : i32
      %dma_wait3A_87 = tpu.memref_slice %arg4[%dma_wait3A_85, %dma_wait3A_86] : memref<10240x128xf32, #tpu.memory_space<hbm>> -> memref<10240x128xf32, #tpu.memory_space<hbm>>
      tpu.wait_indirect_dma semaphore(%arg17 : memref<!tpu.dma_semaphore, #tpu.memory_space<semaphore_mem>>) src(%dma_wait3A_87 : memref<10240x128xf32, #tpu.memory_space<hbm>>) dst(%dma_wait3A_84 : memref<160x128xf32, #tpu.memory_space<vmem>>)
      %mul3A_88 = arith.constant 10240 : i32
      %mul3A_89 = arith.muli %add3A, %mul3A_88 : i32
      %dma_wait3A_90 = tpu.memref_slice %arg2[%mul3A_89] : memref<327680xi32, #tpu.memory_space<hbm>> -> memref<160xi32, #tpu.memory_space<hbm>>
      %dma_wait3A_91 = tpu.memref_slice %arg2[%mul3A_89] : memref<327680xi32, #tpu.memory_space<hbm>> -> memref<160xi32, #tpu.memory_space<hbm>>
      tpu.wait_dma2 semaphore(%arg15 : memref<!tpu.dma_semaphore, #tpu.memory_space<semaphore_mem>>) src(%dma_wait3A_91 : memref<160xi32, #tpu.memory_space<hbm>>) dst(%arg10 : memref<160xi32, #tpu.memory_space<vmem>>)
      %run_scoped3A_92 = arith.constant 1 : i32
      "tpu.region"() ({
        %run_scoped3A_100 = tpu.sem_alloc : memref<!tpu.dma_semaphore, #tpu.memory_space<semaphore_mem>>
        %dma_start3A_101 = arith.constant 0 : i32
        %dma_start3A_102 = arith.constant 0 : i32
        %dma_start3A_103 = tpu.memref_slice %arg11[%run_scoped3A_92, %dma_start3A_101, %dma_start3A_102] : memref<2x160x128xf32, #tpu.memory_space<vmem>> -> memref<1x160x128xf32, #tpu.memory_space<vmem>>
        %dma_start3A_104 = tpu.memref_squeeze %dma_start3A_103 : memref<1x160x128xf32, #tpu.memory_space<vmem>> -> memref<160x128xf32, #tpu.memory_space<vmem>>
        %dma_start3A_105 = arith.constant 0 : i32
        %dma_start3A_106 = arith.constant 0 : i32
        %dma_start3A_107 = tpu.memref_slice %arg18[%dma_start3A_105, %dma_start3A_106] : memref<10240x128xf32, #tpu.memory_space<vmem_shared>> -> memref<10240x128xf32, #tpu.memory_space<vmem_shared>>
        tpu.enqueue_indirect_dma source(%dma_start3A_104 : memref<160x128xf32, #tpu.memory_space<vmem>>) target(%dma_start3A_107 : memref<10240x128xf32, #tpu.memory_space<vmem_shared>>) offsets(%arg10 : memref<160xi32, #tpu.memory_space<vmem>>) semaphore(%run_scoped3A_100 : memref<!tpu.dma_semaphore, #tpu.memory_space<semaphore_mem>>) {add = true}
        %dma_wait3A_108 = arith.constant 0 : i32
        %dma_wait3A_109 = arith.constant 0 : i32
        %dma_wait3A_110 = tpu.memref_slice %arg11[%run_scoped3A_92, %dma_wait3A_108, %dma_wait3A_109] : memref<2x160x128xf32, #tpu.memory_space<vmem>> -> memref<1x160x128xf32, #tpu.memory_space<vmem>>
        %dma_wait3A_111 = tpu.memref_squeeze %dma_wait3A_110 : memref<1x160x128xf32, #tpu.memory_space<vmem>> -> memref<160x128xf32, #tpu.memory_space<vmem>>
        %dma_wait3A_112 = arith.constant 0 : i32
        %dma_wait3A_113 = arith.constant 0 : i32
        %dma_wait3A_114 = tpu.memref_slice %arg18[%dma_wait3A_112, %dma_wait3A_113] : memref<10240x128xf32, #tpu.memory_space<vmem_shared>> -> memref<10240x128xf32, #tpu.memory_space<vmem_shared>>
        tpu.wait_indirect_dma semaphore(%run_scoped3A_100 : memref<!tpu.dma_semaphore, #tpu.memory_space<semaphore_mem>>) src(%dma_wait3A_111 : memref<160x128xf32, #tpu.memory_space<vmem>>) dst(%dma_wait3A_114 : memref<10240x128xf32, #tpu.memory_space<vmem_shared>>)
        tpu.yield
      }) : () -> ()
      %add3A_93 = arith.constant 3 : i32
      %add3A_94 = arith.addi %add3A_63, %add3A_93 : i32
      %lt3A_95 = arith.constant 64 : i32
      %lt3A_96 = arith.cmpi slt, %add3A_94, %lt3A_95 : i32
      %convert_element_type3A_97 = arith.extui %lt3A_96 : i1 to i32
      %cond3A_98 = arith.constant 0 : i32
      %cond3A_99 = arith.cmpi ne, %convert_element_type3A_97, %cond3A_98 : i32
      scf.if %cond3A_99 {
        %mul3A_100 = arith.constant 10240 : i32
        %mul3A_101 = arith.muli %add3A, %mul3A_100 : i32
        %add3A_102 = arith.constant 3 : i32
        %add3A_103 = arith.addi %add3A_63, %add3A_102 : i32
        %mul3A_104 = arith.constant 160 : i32
        %mul3A_105 = arith.muli %add3A_103, %mul3A_104 : i32
        %add3A_106 = arith.addi %mul3A_101, %mul3A_105 : i32
        %dma_start3A_107 = tpu.memref_slice %arg3[%add3A_106] : memref<327680xi32, #tpu.memory_space<hbm>> -> memref<160xi32, #tpu.memory_space<hbm>>
        %dma_start3A_108 = tpu.memref_slice %arg3[%add3A_106] : memref<327680xi32, #tpu.memory_space<hbm>> -> memref<160xi32, #tpu.memory_space<hbm>>
        tpu.enqueue_dma source(%dma_start3A_108 : memref<160xi32, #tpu.memory_space<hbm>>) target(%arg9 : memref<160xi32, #tpu.memory_space<vmem>>) target_semaphore(%arg14 : memref<!tpu.dma_semaphore, #tpu.memory_space<semaphore_mem>>)
        %mul3A_109 = arith.constant 10240 : i32
        %mul3A_110 = arith.muli %add3A, %mul3A_109 : i32
        %add3A_111 = arith.constant 3 : i32
        %add3A_112 = arith.addi %add3A_63, %add3A_111 : i32
        %mul3A_113 = arith.constant 160 : i32
        %mul3A_114 = arith.muli %add3A_112, %mul3A_113 : i32
        %add3A_115 = arith.addi %mul3A_110, %mul3A_114 : i32
        %dma_start3A_116 = tpu.memref_slice %arg2[%add3A_115] : memref<327680xi32, #tpu.memory_space<hbm>> -> memref<160xi32, #tpu.memory_space<hbm>>
        %dma_start3A_117 = tpu.memref_slice %arg2[%add3A_115] : memref<327680xi32, #tpu.memory_space<hbm>> -> memref<160xi32, #tpu.memory_space<hbm>>
        tpu.enqueue_dma source(%dma_start3A_117 : memref<160xi32, #tpu.memory_space<hbm>>) target(%arg10 : memref<160xi32, #tpu.memory_space<vmem>>) target_semaphore(%arg15 : memref<!tpu.dma_semaphore, #tpu.memory_space<semaphore_mem>>)
        %mul3A_118 = arith.constant 10240 : i32
        %mul3A_119 = arith.muli %add3A, %mul3A_118 : i32
        %dma_wait3A_120 = tpu.memref_slice %arg3[%mul3A_119] : memref<327680xi32, #tpu.memory_space<hbm>> -> memref<160xi32, #tpu.memory_space<hbm>>
        %dma_wait3A_121 = tpu.memref_slice %arg3[%mul3A_119] : memref<327680xi32, #tpu.memory_space<hbm>> -> memref<160xi32, #tpu.memory_space<hbm>>
        tpu.wait_dma2 semaphore(%arg14 : memref<!tpu.dma_semaphore, #tpu.memory_space<semaphore_mem>>) src(%dma_wait3A_121 : memref<160xi32, #tpu.memory_space<hbm>>) dst(%arg9 : memref<160xi32, #tpu.memory_space<vmem>>)
        %dma_start3A_122 = arith.constant 1 : i32
        %dma_start3A_123 = arith.constant 0 : i32
        %dma_start3A_124 = arith.constant 0 : i32
        %dma_start3A_125 = tpu.memref_slice %arg11[%dma_start3A_122, %dma_start3A_123, %dma_start3A_124] : memref<2x160x128xf32, #tpu.memory_space<vmem>> -> memref<1x160x128xf32, #tpu.memory_space<vmem>>
        %dma_start3A_126 = tpu.memref_squeeze %dma_start3A_125 : memref<1x160x128xf32, #tpu.memory_space<vmem>> -> memref<160x128xf32, #tpu.memory_space<vmem>>
        %dma_start3A_127 = arith.constant 0 : i32
        %dma_start3A_128 = arith.constant 0 : i32
        %dma_start3A_129 = tpu.memref_slice %arg4[%dma_start3A_127, %dma_start3A_128] : memref<10240x128xf32, #tpu.memory_space<hbm>> -> memref<10240x128xf32, #tpu.memory_space<hbm>>
        tpu.enqueue_indirect_dma source(%dma_start3A_129 : memref<10240x128xf32, #tpu.memory_space<hbm>>) target(%dma_start3A_126 : memref<160x128xf32, #tpu.memory_space<vmem>>) offsets(%arg9 : memref<160xi32, #tpu.memory_space<vmem>>) semaphore(%arg17 : memref<!tpu.dma_semaphore, #tpu.memory_space<semaphore_mem>>)
      } else {
      }
    }
    %scan3A_50 = arith.constant 32 : i32
    %barrier3A_51 = arith.constant 0 : index
    tpu.barrier barrier_id(%barrier3A_51)
    %mul3A_52 = arith.constant 640 : i32
    %mul3A_53 = arith.muli %arg1, %mul3A_52 : i32
    %mul3A_54 = arith.constant 10240 : i32
    %mul3A_55 = arith.muli %arg0, %mul3A_54 : i32
    %mul3A_56 = arith.constant 640 : i32
    %mul3A_57 = arith.muli %arg1, %mul3A_56 : i32
    %add3A_58 = arith.addi %mul3A_55, %mul3A_57 : i32
    "tpu.region"() ({
      %run_scoped3A = tpu.sem_alloc : memref<!tpu.dma_semaphore, #tpu.memory_space<semaphore_mem>>
      %dma_start3A_59 = arith.constant 0 : i32
      %dma_start3A_60 = tpu.memref_slice %arg6[%add3A_58, %dma_start3A_59] : memref<20480x128xf32, #tpu.memory_space<hbm>> -> memref<640x128xf32, #tpu.memory_space<hbm>>
      %dma_start3A_61 = arith.constant 0 : i32
      %dma_start3A_62 = tpu.memref_slice %arg18[%mul3A_53, %dma_start3A_61] : memref<10240x128xf32, #tpu.memory_space<vmem_shared>> -> memref<640x128xf32, #tpu.memory_space<vmem_shared>>
      tpu.enqueue_dma source(%dma_start3A_62 : memref<640x128xf32, #tpu.memory_space<vmem_shared>>) target(%dma_start3A_60 : memref<640x128xf32, #tpu.memory_space<hbm>>) target_semaphore(%run_scoped3A : memref<!tpu.dma_semaphore, #tpu.memory_space<semaphore_mem>>)
      %dma_wait3A_63 = arith.constant 0 : i32
      %dma_wait3A_64 = tpu.memref_slice %arg6[%add3A_58, %dma_wait3A_63] : memref<20480x128xf32, #tpu.memory_space<hbm>> -> memref<640x128xf32, #tpu.memory_space<hbm>>
      %dma_wait3A_65 = arith.constant 0 : i32
      %dma_wait3A_66 = tpu.memref_slice %arg18[%mul3A_53, %dma_wait3A_65] : memref<10240x128xf32, #tpu.memory_space<vmem_shared>> -> memref<640x128xf32, #tpu.memory_space<vmem_shared>>
      tpu.wait_dma2 semaphore(%run_scoped3A : memref<!tpu.dma_semaphore, #tpu.memory_space<semaphore_mem>>) src(%dma_wait3A_66 : memref<640x128xf32, #tpu.memory_space<vmem_shared>>) dst(%dma_wait3A_64 : memref<640x128xf32, #tpu.memory_space<hbm>>)
      tpu.yield
    }) : () -> ()
    return
  }
}

#map = affine_map<(d0, d1) -> (0, 0, 0)>
#map1 = affine_map<(d0, d1) -> (0, 0)>
module attributes {stable_mosaic.version = 14 : i64} {
  func.func @k(%arg0: i32, %arg1: i32, %arg2: memref<32x80x128xi32, #tpu.memory_space<hbm>>, %arg3: memref<128x128xf32, #tpu.memory_space<hbm>>, %arg4: memref<10240x128xf32, #tpu.memory_space<hbm>>, %arg5: memref<20480x128xf32, #tpu.memory_space<hbm>>, %arg6: memref<80x128xi32, #tpu.memory_space<vmem>>, %arg7: memref<128x128xf32, #tpu.memory_space<vmem>>, %arg8: memref<10240x128xf32, #tpu.memory_space<vmem_shared>>) attributes {dimension_semantics = [#tpu.dimension_semantics<core_parallel>, #tpu.dimension_semantics<subcore_parallel>], iteration_bounds = array<i64: 2, 16>, scalar_prefetch = 0 : i64, scratch_operands = 3 : i64, tpu.core_type = #tpu.core_type<sc_vector_subcore>, window_params = [{transform_indices = #map}, {transform_indices = #map1}, {transform_indices = #map1}, {transform_indices = #map1}]} {
    %mul3A = arith.constant 2 : i32
    %mul3A_0 = arith.muli %arg1, %mul3A : i32
    %add3A = arith.addi %mul3A_0, %arg0 : i32
    "tpu.region"() ({
      %run_scoped3A = tpu.sem_alloc : memref<!tpu.dma_semaphore, #tpu.memory_space<semaphore_mem>>
      %dma_start3A = arith.constant 0 : i32
      %dma_start3A_17 = arith.constant 0 : i32
      %dma_start3A_18 = tpu.memref_slice %arg2[%add3A, %dma_start3A, %dma_start3A_17] : memref<32x80x128xi32, #tpu.memory_space<hbm>> -> memref<1x80x128xi32, #tpu.memory_space<hbm>>
      %dma_start3A_19 = tpu.memref_squeeze %dma_start3A_18 : memref<1x80x128xi32, #tpu.memory_space<hbm>> -> memref<80x128xi32, #tpu.memory_space<hbm>>
      %dma_start3A_20 = arith.constant 0 : i32
      %dma_start3A_21 = arith.constant 0 : i32
      %dma_start3A_22 = tpu.memref_slice %arg2[%add3A, %dma_start3A_20, %dma_start3A_21] : memref<32x80x128xi32, #tpu.memory_space<hbm>> -> memref<1x80x128xi32, #tpu.memory_space<hbm>>
      %dma_start3A_23 = tpu.memref_squeeze %dma_start3A_22 : memref<1x80x128xi32, #tpu.memory_space<hbm>> -> memref<80x128xi32, #tpu.memory_space<hbm>>
      tpu.enqueue_dma source(%dma_start3A_23 : memref<80x128xi32, #tpu.memory_space<hbm>>) target(%arg6 : memref<80x128xi32, #tpu.memory_space<vmem>>) target_semaphore(%run_scoped3A : memref<!tpu.dma_semaphore, #tpu.memory_space<semaphore_mem>>)
      %dma_wait3A = arith.constant 0 : i32
      %dma_wait3A_24 = arith.constant 0 : i32
      %dma_wait3A_25 = tpu.memref_slice %arg2[%add3A, %dma_wait3A, %dma_wait3A_24] : memref<32x80x128xi32, #tpu.memory_space<hbm>> -> memref<1x80x128xi32, #tpu.memory_space<hbm>>
      %dma_wait3A_26 = tpu.memref_squeeze %dma_wait3A_25 : memref<1x80x128xi32, #tpu.memory_space<hbm>> -> memref<80x128xi32, #tpu.memory_space<hbm>>
      %dma_wait3A_27 = arith.constant 0 : i32
      %dma_wait3A_28 = arith.constant 0 : i32
      %dma_wait3A_29 = tpu.memref_slice %arg2[%add3A, %dma_wait3A_27, %dma_wait3A_28] : memref<32x80x128xi32, #tpu.memory_space<hbm>> -> memref<1x80x128xi32, #tpu.memory_space<hbm>>
      %dma_wait3A_30 = tpu.memref_squeeze %dma_wait3A_29 : memref<1x80x128xi32, #tpu.memory_space<hbm>> -> memref<80x128xi32, #tpu.memory_space<hbm>>
      tpu.wait_dma2 semaphore(%run_scoped3A : memref<!tpu.dma_semaphore, #tpu.memory_space<semaphore_mem>>) src(%dma_wait3A_30 : memref<80x128xi32, #tpu.memory_space<hbm>>) dst(%arg6 : memref<80x128xi32, #tpu.memory_space<vmem>>)
      tpu.yield
    }) : () -> ()
    "tpu.region"() ({
      %run_scoped3A = tpu.sem_alloc : memref<!tpu.dma_semaphore, #tpu.memory_space<semaphore_mem>>
      tpu.enqueue_dma source(%arg3 : memref<128x128xf32, #tpu.memory_space<hbm>>) target(%arg7 : memref<128x128xf32, #tpu.memory_space<vmem>>) target_semaphore(%run_scoped3A : memref<!tpu.dma_semaphore, #tpu.memory_space<semaphore_mem>>)
      tpu.wait_dma2 semaphore(%run_scoped3A : memref<!tpu.dma_semaphore, #tpu.memory_space<semaphore_mem>>) src(%arg3 : memref<128x128xf32, #tpu.memory_space<hbm>>) dst(%arg7 : memref<128x128xf32, #tpu.memory_space<vmem>>)
      tpu.yield
    }) : () -> ()
    %mul3A_1 = arith.constant 640 : i32
    %mul3A_2 = arith.muli %arg1, %mul3A_1 : i32
    %mul3A_3 = arith.constant 640 : i32
    %mul3A_4 = arith.muli %arg1, %mul3A_3 : i32
    "tpu.region"() ({
      %run_scoped3A = tpu.sem_alloc : memref<!tpu.dma_semaphore, #tpu.memory_space<semaphore_mem>>
      %dma_start3A = arith.constant 0 : i32
      %dma_start3A_17 = tpu.memref_slice %arg8[%mul3A_4, %dma_start3A] : memref<10240x128xf32, #tpu.memory_space<vmem_shared>> -> memref<640x128xf32, #tpu.memory_space<vmem_shared>>
      %dma_start3A_18 = arith.constant 0 : i32
      %dma_start3A_19 = tpu.memref_slice %arg4[%mul3A_2, %dma_start3A_18] : memref<10240x128xf32, #tpu.memory_space<hbm>> -> memref<640x128xf32, #tpu.memory_space<hbm>>
      tpu.enqueue_dma source(%dma_start3A_19 : memref<640x128xf32, #tpu.memory_space<hbm>>) target(%dma_start3A_17 : memref<640x128xf32, #tpu.memory_space<vmem_shared>>) target_semaphore(%run_scoped3A : memref<!tpu.dma_semaphore, #tpu.memory_space<semaphore_mem>>)
      %dma_wait3A = arith.constant 0 : i32
      %dma_wait3A_20 = tpu.memref_slice %arg8[%mul3A_4, %dma_wait3A] : memref<10240x128xf32, #tpu.memory_space<vmem_shared>> -> memref<640x128xf32, #tpu.memory_space<vmem_shared>>
      %dma_wait3A_21 = arith.constant 0 : i32
      %dma_wait3A_22 = tpu.memref_slice %arg4[%mul3A_2, %dma_wait3A_21] : memref<10240x128xf32, #tpu.memory_space<hbm>> -> memref<640x128xf32, #tpu.memory_space<hbm>>
      tpu.wait_dma2 semaphore(%run_scoped3A : memref<!tpu.dma_semaphore, #tpu.memory_space<semaphore_mem>>) src(%dma_wait3A_22 : memref<640x128xf32, #tpu.memory_space<hbm>>) dst(%dma_wait3A_20 : memref<640x128xf32, #tpu.memory_space<vmem_shared>>)
      tpu.yield
    }) : () -> ()
    %barrier3A = arith.constant 0 : index
    tpu.barrier barrier_id(%barrier3A)
    %scan3A = arith.constant 0 : i32
    %scan3A_5 = arith.constant 80 : i32
    %scan3A_6 = arith.addi %scan3A, %scan3A_5 : i32
    %scan3A_7 = arith.constant 1 : i32
    scf.for %scan3A_17 = %scan3A to %scan3A_6 step %scan3A_7  : i32 {
      %mul3A_18 = arith.constant 1 : i32
      %mul3A_19 = arith.muli %scan3A_17, %mul3A_18 : i32
      %add3A_20 = arith.constant 0 : i32
      %add3A_21 = arith.addi %add3A_20, %mul3A_19 : i32
      "tpu.region"() ({
        %run_scoped3A = tpu.sem_alloc : memref<!tpu.dma_semaphore, #tpu.memory_space<semaphore_mem>>
        %dma_start3A = arith.constant 0 : i32
        %dma_start3A_22 = tpu.memref_slice %arg6[%add3A_21, %dma_start3A] : memref<80x128xi32, #tpu.memory_space<vmem>> -> memref<1x128xi32, #tpu.memory_space<vmem>>
        %dma_start3A_23 = tpu.memref_squeeze %dma_start3A_22 : memref<1x128xi32, #tpu.memory_space<vmem>> -> memref<128xi32, #tpu.memory_space<vmem>>
        %dma_start3A_24 = arith.constant 0 : i32
        %dma_start3A_25 = arith.constant 0 : i32
        %dma_start3A_26 = tpu.memref_slice %arg8[%dma_start3A_24, %dma_start3A_25] : memref<10240x128xf32, #tpu.memory_space<vmem_shared>> -> memref<10240x128xf32, #tpu.memory_space<vmem_shared>>
        tpu.enqueue_indirect_dma source(%arg7 : memref<128x128xf32, #tpu.memory_space<vmem>>) target(%dma_start3A_26 : memref<10240x128xf32, #tpu.memory_space<vmem_shared>>) offsets(%dma_start3A_23 : memref<128xi32, #tpu.memory_space<vmem>>) semaphore(%run_scoped3A : memref<!tpu.dma_semaphore, #tpu.memory_space<semaphore_mem>>) {add = true}
        %dma_wait3A = arith.constant 0 : i32
        %dma_wait3A_27 = tpu.memref_slice %arg6[%add3A_21, %dma_wait3A] : memref<80x128xi32, #tpu.memory_space<vmem>> -> memref<1x128xi32, #tpu.memory_space<vmem>>
        %dma_wait3A_28 = tpu.memref_squeeze %dma_wait3A_27 : memref<1x128xi32, #tpu.memory_space<vmem>> -> memref<128xi32, #tpu.memory_space<vmem>>
        %dma_wait3A_29 = arith.constant 0 : i32
        %dma_wait3A_30 = arith.constant 0 : i32
        %dma_wait3A_31 = tpu.memref_slice %arg8[%dma_wait3A_29, %dma_wait3A_30] : memref<10240x128xf32, #tpu.memory_space<vmem_shared>> -> memref<10240x128xf32, #tpu.memory_space<vmem_shared>>
        tpu.wait_indirect_dma semaphore(%run_scoped3A : memref<!tpu.dma_semaphore, #tpu.memory_space<semaphore_mem>>) src(%arg7 : memref<128x128xf32, #tpu.memory_space<vmem>>) dst(%dma_wait3A_31 : memref<10240x128xf32, #tpu.memory_space<vmem_shared>>)
        tpu.yield
      }) : () -> ()
    }
    %scan3A_8 = arith.constant 80 : i32
    %barrier3A_9 = arith.constant 0 : index
    tpu.barrier barrier_id(%barrier3A_9)
    %mul3A_10 = arith.constant 640 : i32
    %mul3A_11 = arith.muli %arg1, %mul3A_10 : i32
    %mul3A_12 = arith.constant 10240 : i32
    %mul3A_13 = arith.muli %arg0, %mul3A_12 : i32
    %mul3A_14 = arith.constant 640 : i32
    %mul3A_15 = arith.muli %arg1, %mul3A_14 : i32
    %add3A_16 = arith.addi %mul3A_13, %mul3A_15 : i32
    "tpu.region"() ({
      %run_scoped3A = tpu.sem_alloc : memref<!tpu.dma_semaphore, #tpu.memory_space<semaphore_mem>>
      %dma_start3A = arith.constant 0 : i32
      %dma_start3A_17 = tpu.memref_slice %arg5[%add3A_16, %dma_start3A] : memref<20480x128xf32, #tpu.memory_space<hbm>> -> memref<640x128xf32, #tpu.memory_space<hbm>>
      %dma_start3A_18 = arith.constant 0 : i32
      %dma_start3A_19 = tpu.memref_slice %arg8[%mul3A_11, %dma_start3A_18] : memref<10240x128xf32, #tpu.memory_space<vmem_shared>> -> memref<640x128xf32, #tpu.memory_space<vmem_shared>>
      tpu.enqueue_dma source(%dma_start3A_19 : memref<640x128xf32, #tpu.memory_space<vmem_shared>>) target(%dma_start3A_17 : memref<640x128xf32, #tpu.memory_space<hbm>>) target_semaphore(%run_scoped3A : memref<!tpu.dma_semaphore, #tpu.memory_space<semaphore_mem>>)
      %dma_wait3A = arith.constant 0 : i32
      %dma_wait3A_20 = tpu.memref_slice %arg5[%add3A_16, %dma_wait3A] : memref<20480x128xf32, #tpu.memory_space<hbm>> -> memref<640x128xf32, #tpu.memory_space<hbm>>
      %dma_wait3A_21 = arith.constant 0 : i32
      %dma_wait3A_22 = tpu.memref_slice %arg8[%mul3A_11, %dma_wait3A_21] : memref<10240x128xf32, #tpu.memory_space<vmem_shared>> -> memref<640x128xf32, #tpu.memory_space<vmem_shared>>
      tpu.wait_dma2 semaphore(%run_scoped3A : memref<!tpu.dma_semaphore, #tpu.memory_space<semaphore_mem>>) src(%dma_wait3A_22 : memref<640x128xf32, #tpu.memory_space<vmem_shared>>) dst(%dma_wait3A_20 : memref<640x128xf32, #tpu.memory_space<hbm>>)
      tpu.yield
    }) : () -> ()
    return
  }
}

#map = affine_map<(d0, d1) -> (0)>
#map1 = affine_map<(d0, d1) -> (0, 0)>
module attributes {stable_mosaic.version = 14 : i64} {
  func.func @k(%arg0: i32, %arg1: i32, %arg2: memref<327680xi32, #tpu.memory_space<hbm>>, %arg3: memref<327680xi32, #tpu.memory_space<hbm>>, %arg4: memref<10240x128xf32, #tpu.memory_space<hbm>>, %arg5: memref<10240x128xf32, #tpu.memory_space<hbm>>, %arg6: memref<20480x128xf32, #tpu.memory_space<hbm>>, %arg7: memref<160xi32, #tpu.memory_space<vmem>>, %arg8: memref<160xi32, #tpu.memory_space<vmem>>, %arg9: memref<160xi32, #tpu.memory_space<vmem>>, %arg10: memref<160xi32, #tpu.memory_space<vmem>>, %arg11: memref<2x160x128xf32, #tpu.memory_space<vmem>>, %arg12: memref<!tpu.dma_semaphore, #tpu.memory_space<semaphore_mem>>, %arg13: memref<!tpu.dma_semaphore, #tpu.memory_space<semaphore_mem>>, %arg14: memref<!tpu.dma_semaphore, #tpu.memory_space<semaphore_mem>>, %arg15: memref<!tpu.dma_semaphore, #tpu.memory_space<semaphore_mem>>, %arg16: memref<!tpu.dma_semaphore, #tpu.memory_space<semaphore_mem>>, %arg17: memref<!tpu.dma_semaphore, #tpu.memory_space<semaphore_mem>>, %arg18: memref<10240x128xf32, #tpu.memory_space<vmem_shared>>) attributes {dimension_semantics = [#tpu.dimension_semantics<core_parallel>, #tpu.dimension_semantics<subcore_parallel>], iteration_bounds = array<i64: 2, 16>, scalar_prefetch = 0 : i64, scratch_operands = 12 : i64, tpu.core_type = #tpu.core_type<sc_vector_subcore>, window_params = [{transform_indices = #map}, {transform_indices = #map}, {transform_indices = #map1}, {transform_indices = #map1}, {transform_indices = #map1}]} {
    %mul3A = arith.constant 2 : i32
    %mul3A_0 = arith.muli %arg1, %mul3A : i32
    %add3A = arith.addi %mul3A_0, %arg0 : i32
    %mul3A_1 = arith.constant 640 : i32
    %mul3A_2 = arith.muli %arg1, %mul3A_1 : i32
    %mul3A_3 = arith.constant 640 : i32
    %mul3A_4 = arith.muli %arg1, %mul3A_3 : i32
    "tpu.region"() ({
      %run_scoped3A = tpu.sem_alloc : memref<!tpu.dma_semaphore, #tpu.memory_space<semaphore_mem>>
      %dma_start3A_59 = arith.constant 0 : i32
      %dma_start3A_60 = tpu.memref_slice %arg18[%mul3A_4, %dma_start3A_59] : memref<10240x128xf32, #tpu.memory_space<vmem_shared>> -> memref<640x128xf32, #tpu.memory_space<vmem_shared>>
      %dma_start3A_61 = arith.constant 0 : i32
      %dma_start3A_62 = tpu.memref_slice %arg5[%mul3A_2, %dma_start3A_61] : memref<10240x128xf32, #tpu.memory_space<hbm>> -> memref<640x128xf32, #tpu.memory_space<hbm>>
      tpu.enqueue_dma source(%dma_start3A_62 : memref<640x128xf32, #tpu.memory_space<hbm>>) target(%dma_start3A_60 : memref<640x128xf32, #tpu.memory_space<vmem_shared>>) target_semaphore(%run_scoped3A : memref<!tpu.dma_semaphore, #tpu.memory_space<semaphore_mem>>)
      %dma_wait3A_63 = arith.constant 0 : i32
      %dma_wait3A_64 = tpu.memref_slice %arg18[%mul3A_4, %dma_wait3A_63] : memref<10240x128xf32, #tpu.memory_space<vmem_shared>> -> memref<640x128xf32, #tpu.memory_space<vmem_shared>>
      %dma_wait3A_65 = arith.constant 0 : i32
      %dma_wait3A_66 = tpu.memref_slice %arg5[%mul3A_2, %dma_wait3A_65] : memref<10240x128xf32, #tpu.memory_space<hbm>> -> memref<640x128xf32, #tpu.memory_space<hbm>>
      tpu.wait_dma2 semaphore(%run_scoped3A : memref<!tpu.dma_semaphore, #tpu.memory_space<semaphore_mem>>) src(%dma_wait3A_66 : memref<640x128xf32, #tpu.memory_space<hbm>>) dst(%dma_wait3A_64 : memref<640x128xf32, #tpu.memory_space<vmem_shared>>)
      tpu.yield
    }) : () -> ()
    %mul3A_5 = arith.constant 10240 : i32
    %mul3A_6 = arith.muli %add3A, %mul3A_5 : i32
    %dma_start3A = tpu.memref_slice %arg3[%mul3A_6] : memref<327680xi32, #tpu.memory_space<hbm>> -> memref<160xi32, #tpu.memory_space<hbm>>
    %dma_start3A_7 = tpu.memref_slice %arg3[%mul3A_6] : memref<327680xi32, #tpu.memory_space<hbm>> -> memref<160xi32, #tpu.memory_space<hbm>>
    tpu.enqueue_dma source(%dma_start3A_7 : memref<160xi32, #tpu.memory_space<hbm>>) target(%arg7 : memref<160xi32, #tpu.memory_space<vmem>>) target_semaphore(%arg12 : memref<!tpu.dma_semaphore, #tpu.memory_space<semaphore_mem>>)
    %mul3A_8 = arith.constant 10240 : i32
    %mul3A_9 = arith.muli %add3A, %mul3A_8 : i32
    %dma_start3A_10 = tpu.memref_slice %arg2[%mul3A_9] : memref<327680xi32, #tpu.memory_space<hbm>> -> memref<160xi32, #tpu.memory_space<hbm>>
    %dma_start3A_11 = tpu.memref_slice %arg2[%mul3A_9] : memref<327680xi32, #tpu.memory_space<hbm>> -> memref<160xi32, #tpu.memory_space<hbm>>
    tpu.enqueue_dma source(%dma_start3A_11 : memref<160xi32, #tpu.memory_space<hbm>>) target(%arg8 : memref<160xi32, #tpu.memory_space<vmem>>) target_semaphore(%arg13 : memref<!tpu.dma_semaphore, #tpu.memory_space<semaphore_mem>>)
    %mul3A_12 = arith.constant 10240 : i32
    %mul3A_13 = arith.muli %add3A, %mul3A_12 : i32
    %add3A_14 = arith.constant 160 : i32
    %add3A_15 = arith.addi %mul3A_13, %add3A_14 : i32
    %dma_start3A_16 = tpu.memref_slice %arg3[%add3A_15] : memref<327680xi32, #tpu.memory_space<hbm>> -> memref<160xi32, #tpu.memory_space<hbm>>
    %dma_start3A_17 = tpu.memref_slice %arg3[%add3A_15] : memref<327680xi32, #tpu.memory_space<hbm>> -> memref<160xi32, #tpu.memory_space<hbm>>
    tpu.enqueue_dma source(%dma_start3A_17 : memref<160xi32, #tpu.memory_space<hbm>>) target(%arg9 : memref<160xi32, #tpu.memory_space<vmem>>) target_semaphore(%arg14 : memref<!tpu.dma_semaphore, #tpu.memory_space<semaphore_mem>>)
    %mul3A_18 = arith.constant 10240 : i32
    %mul3A_19 = arith.muli %add3A, %mul3A_18 : i32
    %add3A_20 = arith.constant 160 : i32
    %add3A_21 = arith.addi %mul3A_19, %add3A_20 : i32
    %dma_start3A_22 = tpu.memref_slice %arg2[%add3A_21] : memref<327680xi32, #tpu.memory_space<hbm>> -> memref<160xi32, #tpu.memory_space<hbm>>
    %dma_start3A_23 = tpu.memref_slice %arg2[%add3A_21] : memref<327680xi32, #tpu.memory_space<hbm>> -> memref<160xi32, #tpu.memory_space<hbm>>
    tpu.enqueue_dma source(%dma_start3A_23 : memref<160xi32, #tpu.memory_space<hbm>>) target(%arg10 : memref<160xi32, #tpu.memory_space<vmem>>) target_semaphore(%arg15 : memref<!tpu.dma_semaphore, #tpu.memory_space<semaphore_mem>>)
    %mul3A_24 = arith.constant 10240 : i32
    %mul3A_25 = arith.muli %add3A, %mul3A_24 : i32
    %dma_wait3A = tpu.memref_slice %arg3[%mul3A_25] : memref<327680xi32, #tpu.memory_space<hbm>> -> memref<160xi32, #tpu.memory_space<hbm>>
    %dma_wait3A_26 = tpu.memref_slice %arg3[%mul3A_25] : memref<327680xi32, #tpu.memory_space<hbm>> -> memref<160xi32, #tpu.memory_space<hbm>>
    tpu.wait_dma2 semaphore(%arg12 : memref<!tpu.dma_semaphore, #tpu.memory_space<semaphore_mem>>) src(%dma_wait3A_26 : memref<160xi32, #tpu.memory_space<hbm>>) dst(%arg7 : memref<160xi32, #tpu.memory_space<vmem>>)
    %dma_start3A_27 = arith.constant 0 : i32
    %dma_start3A_28 = arith.constant 0 : i32
    %dma_start3A_29 = arith.constant 0 : i32
    %dma_start3A_30 = tpu.memref_slice %arg11[%dma_start3A_27, %dma_start3A_28, %dma_start3A_29] : memref<2x160x128xf32, #tpu.memory_space<vmem>> -> memref<1x160x128xf32, #tpu.memory_space<vmem>>
    %dma_start3A_31 = tpu.memref_squeeze %dma_start3A_30 : memref<1x160x128xf32, #tpu.memory_space<vmem>> -> memref<160x128xf32, #tpu.memory_space<vmem>>
    %dma_start3A_32 = arith.constant 0 : i32
    %dma_start3A_33 = arith.constant 0 : i32
    %dma_start3A_34 = tpu.memref_slice %arg4[%dma_start3A_32, %dma_start3A_33] : memref<10240x128xf32, #tpu.memory_space<hbm>> -> memref<10240x128xf32, #tpu.memory_space<hbm>>
    tpu.enqueue_indirect_dma source(%dma_start3A_34 : memref<10240x128xf32, #tpu.memory_space<hbm>>) target(%dma_start3A_31 : memref<160x128xf32, #tpu.memory_space<vmem>>) offsets(%arg7 : memref<160xi32, #tpu.memory_space<vmem>>) semaphore(%arg16 : memref<!tpu.dma_semaphore, #tpu.memory_space<semaphore_mem>>)
    %mul3A_35 = arith.constant 10240 : i32
    %mul3A_36 = arith.muli %add3A, %mul3A_35 : i32
    %dma_wait3A_37 = tpu.memref_slice %arg3[%mul3A_36] : memref<327680xi32, #tpu.memory_space<hbm>> -> memref<160xi32, #tpu.memory_space<hbm>>
    %dma_wait3A_38 = tpu.memref_slice %arg3[%mul3A_36] : memref<327680xi32, #tpu.memory_space<hbm>> -> memref<160xi32, #tpu.memory_space<hbm>>
    tpu.wait_dma2 semaphore(%arg14 : memref<!tpu.dma_semaphore, #tpu.memory_space<semaphore_mem>>) src(%dma_wait3A_38 : memref<160xi32, #tpu.memory_space<hbm>>) dst(%arg9 : memref<160xi32, #tpu.memory_space<vmem>>)
    %dma_start3A_39 = arith.constant 1 : i32
    %dma_start3A_40 = arith.constant 0 : i32
    %dma_start3A_41 = arith.constant 0 : i32
    %dma_start3A_42 = tpu.memref_slice %arg11[%dma_start3A_39, %dma_start3A_40, %dma_start3A_41] : memref<2x160x128xf32, #tpu.memory_space<vmem>> -> memref<1x160x128xf32, #tpu.memory_space<vmem>>
    %dma_start3A_43 = tpu.memref_squeeze %dma_start3A_42 : memref<1x160x128xf32, #tpu.memory_space<vmem>> -> memref<160x128xf32, #tpu.memory_space<vmem>>
    %dma_start3A_44 = arith.constant 0 : i32
    %dma_start3A_45 = arith.constant 0 : i32
    %dma_start3A_46 = tpu.memref_slice %arg4[%dma_start3A_44, %dma_start3A_45] : memref<10240x128xf32, #tpu.memory_space<hbm>> -> memref<10240x128xf32, #tpu.memory_space<hbm>>
    tpu.enqueue_indirect_dma source(%dma_start3A_46 : memref<10240x128xf32, #tpu.memory_space<hbm>>) target(%dma_start3A_43 : memref<160x128xf32, #tpu.memory_space<vmem>>) offsets(%arg9 : memref<160xi32, #tpu.memory_space<vmem>>) semaphore(%arg17 : memref<!tpu.dma_semaphore, #tpu.memory_space<semaphore_mem>>)
    %barrier3A = arith.constant 0 : index
    tpu.barrier barrier_id(%barrier3A)
    %scan3A = arith.constant 0 : i32
    %scan3A_47 = arith.constant 32 : i32
    %scan3A_48 = arith.addi %scan3A, %scan3A_47 : i32
    %scan3A_49 = arith.constant 1 : i32
    scf.for %scan3A_59 = %scan3A to %scan3A_48 step %scan3A_49  : i32 {
      %mul3A_60 = arith.constant 2 : i32
      %mul3A_61 = arith.muli %scan3A_59, %mul3A_60 : i32
      %add3A_62 = arith.constant 0 : i32
      %add3A_63 = arith.addi %add3A_62, %mul3A_61 : i32
      %dma_wait3A_64 = arith.constant 0 : i32
      %dma_wait3A_65 = arith.constant 0 : i32
      %dma_wait3A_66 = arith.constant 0 : i32
      %dma_wait3A_67 = tpu.memref_slice %arg11[%dma_wait3A_64, %dma_wait3A_65, %dma_wait3A_66] : memref<2x160x128xf32, #tpu.memory_space<vmem>> -> memref<1x160x128xf32, #tpu.memory_space<vmem>>
      %dma_wait3A_68 = tpu.memref_squeeze %dma_wait3A_67 : memref<1x160x128xf32, #tpu.memory_space<vmem>> -> memref<160x128xf32, #tpu.memory_space<vmem>>
      %dma_wait3A_69 = arith.constant 0 : i32
      %dma_wait3A_70 = arith.constant 0 : i32
      %dma_wait3A_71 = tpu.memref_slice %arg4[%dma_wait3A_69, %dma_wait3A_70] : memref<10240x128xf32, #tpu.memory_space<hbm>> -> memref<10240x128xf32, #tpu.memory_space<hbm>>
      tpu.wait_indirect_dma semaphore(%arg16 : memref<!tpu.dma_semaphore, #tpu.memory_space<semaphore_mem>>) src(%dma_wait3A_71 : memref<10240x128xf32, #tpu.memory_space<hbm>>) dst(%dma_wait3A_68 : memref<160x128xf32, #tpu.memory_space<vmem>>)
      %mul3A_72 = arith.constant 10240 : i32
      %mul3A_73 = arith.muli %add3A, %mul3A_72 : i32
      %dma_wait3A_74 = tpu.memref_slice %arg2[%mul3A_73] : memref<327680xi32, #tpu.memory_space<hbm>> -> memref<160xi32, #tpu.memory_space<hbm>>
      %dma_wait3A_75 = tpu.memref_slice %arg2[%mul3A_73] : memref<327680xi32, #tpu.memory_space<hbm>> -> memref<160xi32, #tpu.memory_space<hbm>>
      tpu.wait_dma2 semaphore(%arg13 : memref<!tpu.dma_semaphore, #tpu.memory_space<semaphore_mem>>) src(%dma_wait3A_75 : memref<160xi32, #tpu.memory_space<hbm>>) dst(%arg8 : memref<160xi32, #tpu.memory_space<vmem>>)
      %run_scoped3A = arith.constant 0 : i32
      "tpu.region"() ({
        %run_scoped3A_100 = tpu.sem_alloc : memref<!tpu.dma_semaphore, #tpu.memory_space<semaphore_mem>>
        %dma_start3A_101 = arith.constant 0 : i32
        %dma_start3A_102 = arith.constant 0 : i32
        %dma_start3A_103 = tpu.memref_slice %arg11[%run_scoped3A, %dma_start3A_101, %dma_start3A_102] : memref<2x160x128xf32, #tpu.memory_space<vmem>> -> memref<1x160x128xf32, #tpu.memory_space<vmem>>
        %dma_start3A_104 = tpu.memref_squeeze %dma_start3A_103 : memref<1x160x128xf32, #tpu.memory_space<vmem>> -> memref<160x128xf32, #tpu.memory_space<vmem>>
        %dma_start3A_105 = arith.constant 0 : i32
        %dma_start3A_106 = arith.constant 0 : i32
        %dma_start3A_107 = tpu.memref_slice %arg18[%dma_start3A_105, %dma_start3A_106] : memref<10240x128xf32, #tpu.memory_space<vmem_shared>> -> memref<10240x128xf32, #tpu.memory_space<vmem_shared>>
        tpu.enqueue_indirect_dma source(%dma_start3A_104 : memref<160x128xf32, #tpu.memory_space<vmem>>) target(%dma_start3A_107 : memref<10240x128xf32, #tpu.memory_space<vmem_shared>>) offsets(%arg8 : memref<160xi32, #tpu.memory_space<vmem>>) semaphore(%run_scoped3A_100 : memref<!tpu.dma_semaphore, #tpu.memory_space<semaphore_mem>>) {add = true}
        %dma_wait3A_108 = arith.constant 0 : i32
        %dma_wait3A_109 = arith.constant 0 : i32
        %dma_wait3A_110 = tpu.memref_slice %arg11[%run_scoped3A, %dma_wait3A_108, %dma_wait3A_109] : memref<2x160x128xf32, #tpu.memory_space<vmem>> -> memref<1x160x128xf32, #tpu.memory_space<vmem>>
        %dma_wait3A_111 = tpu.memref_squeeze %dma_wait3A_110 : memref<1x160x128xf32, #tpu.memory_space<vmem>> -> memref<160x128xf32, #tpu.memory_space<vmem>>
        %dma_wait3A_112 = arith.constant 0 : i32
        %dma_wait3A_113 = arith.constant 0 : i32
        %dma_wait3A_114 = tpu.memref_slice %arg18[%dma_wait3A_112, %dma_wait3A_113] : memref<10240x128xf32, #tpu.memory_space<vmem_shared>> -> memref<10240x128xf32, #tpu.memory_space<vmem_shared>>
        tpu.wait_indirect_dma semaphore(%run_scoped3A_100 : memref<!tpu.dma_semaphore, #tpu.memory_space<semaphore_mem>>) src(%dma_wait3A_111 : memref<160x128xf32, #tpu.memory_space<vmem>>) dst(%dma_wait3A_114 : memref<10240x128xf32, #tpu.memory_space<vmem_shared>>)
        tpu.yield
      }) : () -> ()
      %add3A_76 = arith.constant 2 : i32
      %add3A_77 = arith.addi %add3A_63, %add3A_76 : i32
      %lt3A = arith.constant 64 : i32
      %lt3A_78 = arith.cmpi slt, %add3A_77, %lt3A : i32
      %convert_element_type3A = arith.extui %lt3A_78 : i1 to i32
      %cond3A = arith.constant 0 : i32
      %cond3A_79 = arith.cmpi ne, %convert_element_type3A, %cond3A : i32
      scf.if %cond3A_79 {
        %mul3A_100 = arith.constant 10240 : i32
        %mul3A_101 = arith.muli %add3A, %mul3A_100 : i32
        %add3A_102 = arith.constant 2 : i32
        %add3A_103 = arith.addi %add3A_63, %add3A_102 : i32
        %mul3A_104 = arith.constant 160 : i32
        %mul3A_105 = arith.muli %add3A_103, %mul3A_104 : i32
        %add3A_106 = arith.addi %mul3A_101, %mul3A_105 : i32
        %dma_start3A_107 = tpu.memref_slice %arg3[%add3A_106] : memref<327680xi32, #tpu.memory_space<hbm>> -> memref<160xi32, #tpu.memory_space<hbm>>
        %dma_start3A_108 = tpu.memref_slice %arg3[%add3A_106] : memref<327680xi32, #tpu.memory_space<hbm>> -> memref<160xi32, #tpu.memory_space<hbm>>
        tpu.enqueue_dma source(%dma_start3A_108 : memref<160xi32, #tpu.memory_space<hbm>>) target(%arg7 : memref<160xi32, #tpu.memory_space<vmem>>) target_semaphore(%arg12 : memref<!tpu.dma_semaphore, #tpu.memory_space<semaphore_mem>>)
        %mul3A_109 = arith.constant 10240 : i32
        %mul3A_110 = arith.muli %add3A, %mul3A_109 : i32
        %add3A_111 = arith.constant 2 : i32
        %add3A_112 = arith.addi %add3A_63, %add3A_111 : i32
        %mul3A_113 = arith.constant 160 : i32
        %mul3A_114 = arith.muli %add3A_112, %mul3A_113 : i32
        %add3A_115 = arith.addi %mul3A_110, %mul3A_114 : i32
        %dma_start3A_116 = tpu.memref_slice %arg2[%add3A_115] : memref<327680xi32, #tpu.memory_space<hbm>> -> memref<160xi32, #tpu.memory_space<hbm>>
        %dma_start3A_117 = tpu.memref_slice %arg2[%add3A_115] : memref<327680xi32, #tpu.memory_space<hbm>> -> memref<160xi32, #tpu.memory_space<hbm>>
        tpu.enqueue_dma source(%dma_start3A_117 : memref<160xi32, #tpu.memory_space<hbm>>) target(%arg8 : memref<160xi32, #tpu.memory_space<vmem>>) target_semaphore(%arg13 : memref<!tpu.dma_semaphore, #tpu.memory_space<semaphore_mem>>)
        %mul3A_118 = arith.constant 10240 : i32
        %mul3A_119 = arith.muli %add3A, %mul3A_118 : i32
        %dma_wait3A_120 = tpu.memref_slice %arg3[%mul3A_119] : memref<327680xi32, #tpu.memory_space<hbm>> -> memref<160xi32, #tpu.memory_space<hbm>>
        %dma_wait3A_121 = tpu.memref_slice %arg3[%mul3A_119] : memref<327680xi32, #tpu.memory_space<hbm>> -> memref<160xi32, #tpu.memory_space<hbm>>
        tpu.wait_dma2 semaphore(%arg12 : memref<!tpu.dma_semaphore, #tpu.memory_space<semaphore_mem>>) src(%dma_wait3A_121 : memref<160xi32, #tpu.memory_space<hbm>>) dst(%arg7 : memref<160xi32, #tpu.memory_space<vmem>>)
        %dma_start3A_122 = arith.constant 0 : i32
        %dma_start3A_123 = arith.constant 0 : i32
        %dma_start3A_124 = arith.constant 0 : i32
        %dma_start3A_125 = tpu.memref_slice %arg11[%dma_start3A_122, %dma_start3A_123, %dma_start3A_124] : memref<2x160x128xf32, #tpu.memory_space<vmem>> -> memref<1x160x128xf32, #tpu.memory_space<vmem>>
        %dma_start3A_126 = tpu.memref_squeeze %dma_start3A_125 : memref<1x160x128xf32, #tpu.memory_space<vmem>> -> memref<160x128xf32, #tpu.memory_space<vmem>>
        %dma_start3A_127 = arith.constant 0 : i32
        %dma_start3A_128 = arith.constant 0 : i32
        %dma_start3A_129 = tpu.memref_slice %arg4[%dma_start3A_127, %dma_start3A_128] : memref<10240x128xf32, #tpu.memory_space<hbm>> -> memref<10240x128xf32, #tpu.memory_space<hbm>>
        tpu.enqueue_indirect_dma source(%dma_start3A_129 : memref<10240x128xf32, #tpu.memory_space<hbm>>) target(%dma_start3A_126 : memref<160x128xf32, #tpu.memory_space<vmem>>) offsets(%arg7 : memref<160xi32, #tpu.memory_space<vmem>>) semaphore(%arg16 : memref<!tpu.dma_semaphore, #tpu.memory_space<semaphore_mem>>)
      } else {
      }
      %dma_wait3A_80 = arith.constant 1 : i32
      %dma_wait3A_81 = arith.constant 0 : i32
      %dma_wait3A_82 = arith.constant 0 : i32
      %dma_wait3A_83 = tpu.memref_slice %arg11[%dma_wait3A_80, %dma_wait3A_81, %dma_wait3A_82] : memref<2x160x128xf32, #tpu.memory_space<vmem>> -> memref<1x160x128xf32, #tpu.memory_space<vmem>>
      %dma_wait3A_84 = tpu.memref_squeeze %dma_wait3A_83 : memref<1x160x128xf32, #tpu.memory_space<vmem>> -> memref<160x128xf32, #tpu.memory_space<vmem>>
      %dma_wait3A_85 = arith.constant 0 : i32
      %dma_wait3A_86 = arith.constant 0 : i32
      %dma_wait3A_87 = tpu.memref_slice %arg4[%dma_wait3A_85, %dma_wait3A_86] : memref<10240x128xf32, #tpu.memory_space<hbm>> -> memref<10240x128xf32, #tpu.memory_space<hbm>>
      tpu.wait_indirect_dma semaphore(%arg17 : memref<!tpu.dma_semaphore, #tpu.memory_space<semaphore_mem>>) src(%dma_wait3A_87 : memref<10240x128xf32, #tpu.memory_space<hbm>>) dst(%dma_wait3A_84 : memref<160x128xf32, #tpu.memory_space<vmem>>)
      %mul3A_88 = arith.constant 10240 : i32
      %mul3A_89 = arith.muli %add3A, %mul3A_88 : i32
      %dma_wait3A_90 = tpu.memref_slice %arg2[%mul3A_89] : memref<327680xi32, #tpu.memory_space<hbm>> -> memref<160xi32, #tpu.memory_space<hbm>>
      %dma_wait3A_91 = tpu.memref_slice %arg2[%mul3A_89] : memref<327680xi32, #tpu.memory_space<hbm>> -> memref<160xi32, #tpu.memory_space<hbm>>
      tpu.wait_dma2 semaphore(%arg15 : memref<!tpu.dma_semaphore, #tpu.memory_space<semaphore_mem>>) src(%dma_wait3A_91 : memref<160xi32, #tpu.memory_space<hbm>>) dst(%arg10 : memref<160xi32, #tpu.memory_space<vmem>>)
      %run_scoped3A_92 = arith.constant 1 : i32
      "tpu.region"() ({
        %run_scoped3A_100 = tpu.sem_alloc : memref<!tpu.dma_semaphore, #tpu.memory_space<semaphore_mem>>
        %dma_start3A_101 = arith.constant 0 : i32
        %dma_start3A_102 = arith.constant 0 : i32
        %dma_start3A_103 = tpu.memref_slice %arg11[%run_scoped3A_92, %dma_start3A_101, %dma_start3A_102] : memref<2x160x128xf32, #tpu.memory_space<vmem>> -> memref<1x160x128xf32, #tpu.memory_space<vmem>>
        %dma_start3A_104 = tpu.memref_squeeze %dma_start3A_103 : memref<1x160x128xf32, #tpu.memory_space<vmem>> -> memref<160x128xf32, #tpu.memory_space<vmem>>
        %dma_start3A_105 = arith.constant 0 : i32
        %dma_start3A_106 = arith.constant 0 : i32
        %dma_start3A_107 = tpu.memref_slice %arg18[%dma_start3A_105, %dma_start3A_106] : memref<10240x128xf32, #tpu.memory_space<vmem_shared>> -> memref<10240x128xf32, #tpu.memory_space<vmem_shared>>
        tpu.enqueue_indirect_dma source(%dma_start3A_104 : memref<160x128xf32, #tpu.memory_space<vmem>>) target(%dma_start3A_107 : memref<10240x128xf32, #tpu.memory_space<vmem_shared>>) offsets(%arg10 : memref<160xi32, #tpu.memory_space<vmem>>) semaphore(%run_scoped3A_100 : memref<!tpu.dma_semaphore, #tpu.memory_space<semaphore_mem>>) {add = true}
        %dma_wait3A_108 = arith.constant 0 : i32
        %dma_wait3A_109 = arith.constant 0 : i32
        %dma_wait3A_110 = tpu.memref_slice %arg11[%run_scoped3A_92, %dma_wait3A_108, %dma_wait3A_109] : memref<2x160x128xf32, #tpu.memory_space<vmem>> -> memref<1x160x128xf32, #tpu.memory_space<vmem>>
        %dma_wait3A_111 = tpu.memref_squeeze %dma_wait3A_110 : memref<1x160x128xf32, #tpu.memory_space<vmem>> -> memref<160x128xf32, #tpu.memory_space<vmem>>
        %dma_wait3A_112 = arith.constant 0 : i32
        %dma_wait3A_113 = arith.constant 0 : i32
        %dma_wait3A_114 = tpu.memref_slice %arg18[%dma_wait3A_112, %dma_wait3A_113] : memref<10240x128xf32, #tpu.memory_space<vmem_shared>> -> memref<10240x128xf32, #tpu.memory_space<vmem_shared>>
        tpu.wait_indirect_dma semaphore(%run_scoped3A_100 : memref<!tpu.dma_semaphore, #tpu.memory_space<semaphore_mem>>) src(%dma_wait3A_111 : memref<160x128xf32, #tpu.memory_space<vmem>>) dst(%dma_wait3A_114 : memref<10240x128xf32, #tpu.memory_space<vmem_shared>>)
        tpu.yield
      }) : () -> ()
      %add3A_93 = arith.constant 3 : i32
      %add3A_94 = arith.addi %add3A_63, %add3A_93 : i32
      %lt3A_95 = arith.constant 64 : i32
      %lt3A_96 = arith.cmpi slt, %add3A_94, %lt3A_95 : i32
      %convert_element_type3A_97 = arith.extui %lt3A_96 : i1 to i32
      %cond3A_98 = arith.constant 0 : i32
      %cond3A_99 = arith.cmpi ne, %convert_element_type3A_97, %cond3A_98 : i32
      scf.if %cond3A_99 {
        %mul3A_100 = arith.constant 10240 : i32
        %mul3A_101 = arith.muli %add3A, %mul3A_100 : i32
        %add3A_102 = arith.constant 3 : i32
        %add3A_103 = arith.addi %add3A_63, %add3A_102 : i32
        %mul3A_104 = arith.constant 160 : i32
        %mul3A_105 = arith.muli %add3A_103, %mul3A_104 : i32
        %add3A_106 = arith.addi %mul3A_101, %mul3A_105 : i32
        %dma_start3A_107 = tpu.memref_slice %arg3[%add3A_106] : memref<327680xi32, #tpu.memory_space<hbm>> -> memref<160xi32, #tpu.memory_space<hbm>>
        %dma_start3A_108 = tpu.memref_slice %arg3[%add3A_106] : memref<327680xi32, #tpu.memory_space<hbm>> -> memref<160xi32, #tpu.memory_space<hbm>>
        tpu.enqueue_dma source(%dma_start3A_108 : memref<160xi32, #tpu.memory_space<hbm>>) target(%arg9 : memref<160xi32, #tpu.memory_space<vmem>>) target_semaphore(%arg14 : memref<!tpu.dma_semaphore, #tpu.memory_space<semaphore_mem>>)
        %mul3A_109 = arith.constant 10240 : i32
        %mul3A_110 = arith.muli %add3A, %mul3A_109 : i32
        %add3A_111 = arith.constant 3 : i32
        %add3A_112 = arith.addi %add3A_63, %add3A_111 : i32
        %mul3A_113 = arith.constant 160 : i32
        %mul3A_114 = arith.muli %add3A_112, %mul3A_113 : i32
        %add3A_115 = arith.addi %mul3A_110, %mul3A_114 : i32
        %dma_start3A_116 = tpu.memref_slice %arg2[%add3A_115] : memref<327680xi32, #tpu.memory_space<hbm>> -> memref<160xi32, #tpu.memory_space<hbm>>
        %dma_start3A_117 = tpu.memref_slice %arg2[%add3A_115] : memref<327680xi32, #tpu.memory_space<hbm>> -> memref<160xi32, #tpu.memory_space<hbm>>
        tpu.enqueue_dma source(%dma_start3A_117 : memref<160xi32, #tpu.memory_space<hbm>>) target(%arg10 : memref<160xi32, #tpu.memory_space<vmem>>) target_semaphore(%arg15 : memref<!tpu.dma_semaphore, #tpu.memory_space<semaphore_mem>>)
        %mul3A_118 = arith.constant 10240 : i32
        %mul3A_119 = arith.muli %add3A, %mul3A_118 : i32
        %dma_wait3A_120 = tpu.memref_slice %arg3[%mul3A_119] : memref<327680xi32, #tpu.memory_space<hbm>> -> memref<160xi32, #tpu.memory_space<hbm>>
        %dma_wait3A_121 = tpu.memref_slice %arg3[%mul3A_119] : memref<327680xi32, #tpu.memory_space<hbm>> -> memref<160xi32, #tpu.memory_space<hbm>>
        tpu.wait_dma2 semaphore(%arg14 : memref<!tpu.dma_semaphore, #tpu.memory_space<semaphore_mem>>) src(%dma_wait3A_121 : memref<160xi32, #tpu.memory_space<hbm>>) dst(%arg9 : memref<160xi32, #tpu.memory_space<vmem>>)
        %dma_start3A_122 = arith.constant 1 : i32
        %dma_start3A_123 = arith.constant 0 : i32
        %dma_start3A_124 = arith.constant 0 : i32
        %dma_start3A_125 = tpu.memref_slice %arg11[%dma_start3A_122, %dma_start3A_123, %dma_start3A_124] : memref<2x160x128xf32, #tpu.memory_space<vmem>> -> memref<1x160x128xf32, #tpu.memory_space<vmem>>
        %dma_start3A_126 = tpu.memref_squeeze %dma_start3A_125 : memref<1x160x128xf32, #tpu.memory_space<vmem>> -> memref<160x128xf32, #tpu.memory_space<vmem>>
        %dma_start3A_127 = arith.constant 0 : i32
        %dma_start3A_128 = arith.constant 0 : i32
        %dma_start3A_129 = tpu.memref_slice %arg4[%dma_start3A_127, %dma_start3A_128] : memref<10240x128xf32, #tpu.memory_space<hbm>> -> memref<10240x128xf32, #tpu.memory_space<hbm>>
        tpu.enqueue_indirect_dma source(%dma_start3A_129 : memref<10240x128xf32, #tpu.memory_space<hbm>>) target(%dma_start3A_126 : memref<160x128xf32, #tpu.memory_space<vmem>>) offsets(%arg9 : memref<160xi32, #tpu.memory_space<vmem>>) semaphore(%arg17 : memref<!tpu.dma_semaphore, #tpu.memory_space<semaphore_mem>>)
      } else {
      }
    }
    %scan3A_50 = arith.constant 32 : i32
    %barrier3A_51 = arith.constant 0 : index
    tpu.barrier barrier_id(%barrier3A_51)
    %mul3A_52 = arith.constant 640 : i32
    %mul3A_53 = arith.muli %arg1, %mul3A_52 : i32
    %mul3A_54 = arith.constant 10240 : i32
    %mul3A_55 = arith.muli %arg0, %mul3A_54 : i32
    %mul3A_56 = arith.constant 640 : i32
    %mul3A_57 = arith.muli %arg1, %mul3A_56 : i32
    %add3A_58 = arith.addi %mul3A_55, %mul3A_57 : i32
    "tpu.region"() ({
      %run_scoped3A = tpu.sem_alloc : memref<!tpu.dma_semaphore, #tpu.memory_space<semaphore_mem>>
      %dma_start3A_59 = arith.constant 0 : i32
      %dma_start3A_60 = tpu.memref_slice %arg6[%add3A_58, %dma_start3A_59] : memref<20480x128xf32, #tpu.memory_space<hbm>> -> memref<640x128xf32, #tpu.memory_space<hbm>>
      %dma_start3A_61 = arith.constant 0 : i32
      %dma_start3A_62 = tpu.memref_slice %arg18[%mul3A_53, %dma_start3A_61] : memref<10240x128xf32, #tpu.memory_space<vmem_shared>> -> memref<640x128xf32, #tpu.memory_space<vmem_shared>>
      tpu.enqueue_dma source(%dma_start3A_62 : memref<640x128xf32, #tpu.memory_space<vmem_shared>>) target(%dma_start3A_60 : memref<640x128xf32, #tpu.memory_space<hbm>>) target_semaphore(%run_scoped3A : memref<!tpu.dma_semaphore, #tpu.memory_space<semaphore_mem>>)
      %dma_wait3A_63 = arith.constant 0 : i32
      %dma_wait3A_64 = tpu.memref_slice %arg6[%add3A_58, %dma_wait3A_63] : memref<20480x128xf32, #tpu.memory_space<hbm>> -> memref<640x128xf32, #tpu.memory_space<hbm>>
      %dma_wait3A_65 = arith.constant 0 : i32
      %dma_wait3A_66 = tpu.memref_slice %arg18[%mul3A_53, %dma_wait3A_65] : memref<10240x128xf32, #tpu.memory_space<vmem_shared>> -> memref<640x128xf32, #tpu.memory_space<vmem_shared>>
      tpu.wait_dma2 semaphore(%run_scoped3A : memref<!tpu.dma_semaphore, #tpu.memory_space<semaphore_mem>>) src(%dma_wait3A_66 : memref<640x128xf32, #tpu.memory_space<vmem_shared>>) dst(%dma_wait3A_64 : memref<640x128xf32, #tpu.memory_space<hbm>>)
      tpu.yield
    }) : () -> ()
    return
  }
}

#map = affine_map<(d0, d1) -> (0)>
#map1 = affine_map<(d0, d1) -> (0, 0)>
module attributes {stable_mosaic.version = 14 : i64} {
  func.func @k(%arg0: i32, %arg1: i32, %arg2: memref<327680xi32, #tpu.memory_space<hbm>>, %arg3: memref<327680xi32, #tpu.memory_space<hbm>>, %arg4: memref<10240x128xf32, #tpu.memory_space<hbm>>, %arg5: memref<10240x128xf32, #tpu.memory_space<hbm>>, %arg6: memref<20480x128xf32, #tpu.memory_space<hbm>>, %arg7: memref<160xi32, #tpu.memory_space<vmem>>, %arg8: memref<160xi32, #tpu.memory_space<vmem>>, %arg9: memref<160xi32, #tpu.memory_space<vmem>>, %arg10: memref<160xi32, #tpu.memory_space<vmem>>, %arg11: memref<2x160x128xf32, #tpu.memory_space<vmem>>, %arg12: memref<!tpu.dma_semaphore, #tpu.memory_space<semaphore_mem>>, %arg13: memref<!tpu.dma_semaphore, #tpu.memory_space<semaphore_mem>>, %arg14: memref<!tpu.dma_semaphore, #tpu.memory_space<semaphore_mem>>, %arg15: memref<!tpu.dma_semaphore, #tpu.memory_space<semaphore_mem>>, %arg16: memref<!tpu.dma_semaphore, #tpu.memory_space<semaphore_mem>>, %arg17: memref<!tpu.dma_semaphore, #tpu.memory_space<semaphore_mem>>, %arg18: memref<10240x128xf32, #tpu.memory_space<vmem_shared>>) attributes {dimension_semantics = [#tpu.dimension_semantics<core_parallel>, #tpu.dimension_semantics<subcore_parallel>], iteration_bounds = array<i64: 2, 16>, scalar_prefetch = 0 : i64, scratch_operands = 12 : i64, tpu.core_type = #tpu.core_type<sc_vector_subcore>, window_params = [{transform_indices = #map}, {transform_indices = #map}, {transform_indices = #map1}, {transform_indices = #map1}, {transform_indices = #map1}]} {
    %mul3A = arith.constant 2 : i32
    %mul3A_0 = arith.muli %arg1, %mul3A : i32
    %add3A = arith.addi %mul3A_0, %arg0 : i32
    %mul3A_1 = arith.constant 640 : i32
    %mul3A_2 = arith.muli %arg1, %mul3A_1 : i32
    %mul3A_3 = arith.constant 640 : i32
    %mul3A_4 = arith.muli %arg1, %mul3A_3 : i32
    "tpu.region"() ({
      %run_scoped3A = tpu.sem_alloc : memref<!tpu.dma_semaphore, #tpu.memory_space<semaphore_mem>>
      %dma_start3A_59 = arith.constant 0 : i32
      %dma_start3A_60 = tpu.memref_slice %arg18[%mul3A_4, %dma_start3A_59] : memref<10240x128xf32, #tpu.memory_space<vmem_shared>> -> memref<640x128xf32, #tpu.memory_space<vmem_shared>>
      %dma_start3A_61 = arith.constant 0 : i32
      %dma_start3A_62 = tpu.memref_slice %arg5[%mul3A_2, %dma_start3A_61] : memref<10240x128xf32, #tpu.memory_space<hbm>> -> memref<640x128xf32, #tpu.memory_space<hbm>>
      tpu.enqueue_dma source(%dma_start3A_62 : memref<640x128xf32, #tpu.memory_space<hbm>>) target(%dma_start3A_60 : memref<640x128xf32, #tpu.memory_space<vmem_shared>>) target_semaphore(%run_scoped3A : memref<!tpu.dma_semaphore, #tpu.memory_space<semaphore_mem>>)
      %dma_wait3A_63 = arith.constant 0 : i32
      %dma_wait3A_64 = tpu.memref_slice %arg18[%mul3A_4, %dma_wait3A_63] : memref<10240x128xf32, #tpu.memory_space<vmem_shared>> -> memref<640x128xf32, #tpu.memory_space<vmem_shared>>
      %dma_wait3A_65 = arith.constant 0 : i32
      %dma_wait3A_66 = tpu.memref_slice %arg5[%mul3A_2, %dma_wait3A_65] : memref<10240x128xf32, #tpu.memory_space<hbm>> -> memref<640x128xf32, #tpu.memory_space<hbm>>
      tpu.wait_dma2 semaphore(%run_scoped3A : memref<!tpu.dma_semaphore, #tpu.memory_space<semaphore_mem>>) src(%dma_wait3A_66 : memref<640x128xf32, #tpu.memory_space<hbm>>) dst(%dma_wait3A_64 : memref<640x128xf32, #tpu.memory_space<vmem_shared>>)
      tpu.yield
    }) : () -> ()
    %mul3A_5 = arith.constant 10240 : i32
    %mul3A_6 = arith.muli %add3A, %mul3A_5 : i32
    %dma_start3A = tpu.memref_slice %arg3[%mul3A_6] : memref<327680xi32, #tpu.memory_space<hbm>> -> memref<160xi32, #tpu.memory_space<hbm>>
    %dma_start3A_7 = tpu.memref_slice %arg3[%mul3A_6] : memref<327680xi32, #tpu.memory_space<hbm>> -> memref<160xi32, #tpu.memory_space<hbm>>
    tpu.enqueue_dma source(%dma_start3A_7 : memref<160xi32, #tpu.memory_space<hbm>>) target(%arg7 : memref<160xi32, #tpu.memory_space<vmem>>) target_semaphore(%arg12 : memref<!tpu.dma_semaphore, #tpu.memory_space<semaphore_mem>>)
    %mul3A_8 = arith.constant 10240 : i32
    %mul3A_9 = arith.muli %add3A, %mul3A_8 : i32
    %dma_start3A_10 = tpu.memref_slice %arg2[%mul3A_9] : memref<327680xi32, #tpu.memory_space<hbm>> -> memref<160xi32, #tpu.memory_space<hbm>>
    %dma_start3A_11 = tpu.memref_slice %arg2[%mul3A_9] : memref<327680xi32, #tpu.memory_space<hbm>> -> memref<160xi32, #tpu.memory_space<hbm>>
    tpu.enqueue_dma source(%dma_start3A_11 : memref<160xi32, #tpu.memory_space<hbm>>) target(%arg8 : memref<160xi32, #tpu.memory_space<vmem>>) target_semaphore(%arg13 : memref<!tpu.dma_semaphore, #tpu.memory_space<semaphore_mem>>)
    %mul3A_12 = arith.constant 10240 : i32
    %mul3A_13 = arith.muli %add3A, %mul3A_12 : i32
    %add3A_14 = arith.constant 160 : i32
    %add3A_15 = arith.addi %mul3A_13, %add3A_14 : i32
    %dma_start3A_16 = tpu.memref_slice %arg3[%add3A_15] : memref<327680xi32, #tpu.memory_space<hbm>> -> memref<160xi32, #tpu.memory_space<hbm>>
    %dma_start3A_17 = tpu.memref_slice %arg3[%add3A_15] : memref<327680xi32, #tpu.memory_space<hbm>> -> memref<160xi32, #tpu.memory_space<hbm>>
    tpu.enqueue_dma source(%dma_start3A_17 : memref<160xi32, #tpu.memory_space<hbm>>) target(%arg9 : memref<160xi32, #tpu.memory_space<vmem>>) target_semaphore(%arg14 : memref<!tpu.dma_semaphore, #tpu.memory_space<semaphore_mem>>)
    %mul3A_18 = arith.constant 10240 : i32
    %mul3A_19 = arith.muli %add3A, %mul3A_18 : i32
    %add3A_20 = arith.constant 160 : i32
    %add3A_21 = arith.addi %mul3A_19, %add3A_20 : i32
    %dma_start3A_22 = tpu.memref_slice %arg2[%add3A_21] : memref<327680xi32, #tpu.memory_space<hbm>> -> memref<160xi32, #tpu.memory_space<hbm>>
    %dma_start3A_23 = tpu.memref_slice %arg2[%add3A_21] : memref<327680xi32, #tpu.memory_space<hbm>> -> memref<160xi32, #tpu.memory_space<hbm>>
    tpu.enqueue_dma source(%dma_start3A_23 : memref<160xi32, #tpu.memory_space<hbm>>) target(%arg10 : memref<160xi32, #tpu.memory_space<vmem>>) target_semaphore(%arg15 : memref<!tpu.dma_semaphore, #tpu.memory_space<semaphore_mem>>)
    %mul3A_24 = arith.constant 10240 : i32
    %mul3A_25 = arith.muli %add3A, %mul3A_24 : i32
    %dma_wait3A = tpu.memref_slice %arg3[%mul3A_25] : memref<327680xi32, #tpu.memory_space<hbm>> -> memref<160xi32, #tpu.memory_space<hbm>>
    %dma_wait3A_26 = tpu.memref_slice %arg3[%mul3A_25] : memref<327680xi32, #tpu.memory_space<hbm>> -> memref<160xi32, #tpu.memory_space<hbm>>
    tpu.wait_dma2 semaphore(%arg12 : memref<!tpu.dma_semaphore, #tpu.memory_space<semaphore_mem>>) src(%dma_wait3A_26 : memref<160xi32, #tpu.memory_space<hbm>>) dst(%arg7 : memref<160xi32, #tpu.memory_space<vmem>>)
    %dma_start3A_27 = arith.constant 0 : i32
    %dma_start3A_28 = arith.constant 0 : i32
    %dma_start3A_29 = arith.constant 0 : i32
    %dma_start3A_30 = tpu.memref_slice %arg11[%dma_start3A_27, %dma_start3A_28, %dma_start3A_29] : memref<2x160x128xf32, #tpu.memory_space<vmem>> -> memref<1x160x128xf32, #tpu.memory_space<vmem>>
    %dma_start3A_31 = tpu.memref_squeeze %dma_start3A_30 : memref<1x160x128xf32, #tpu.memory_space<vmem>> -> memref<160x128xf32, #tpu.memory_space<vmem>>
    %dma_start3A_32 = arith.constant 0 : i32
    %dma_start3A_33 = arith.constant 0 : i32
    %dma_start3A_34 = tpu.memref_slice %arg4[%dma_start3A_32, %dma_start3A_33] : memref<10240x128xf32, #tpu.memory_space<hbm>> -> memref<10240x128xf32, #tpu.memory_space<hbm>>
    tpu.enqueue_indirect_dma source(%dma_start3A_34 : memref<10240x128xf32, #tpu.memory_space<hbm>>) target(%dma_start3A_31 : memref<160x128xf32, #tpu.memory_space<vmem>>) offsets(%arg7 : memref<160xi32, #tpu.memory_space<vmem>>) semaphore(%arg16 : memref<!tpu.dma_semaphore, #tpu.memory_space<semaphore_mem>>)
    %mul3A_35 = arith.constant 10240 : i32
    %mul3A_36 = arith.muli %add3A, %mul3A_35 : i32
    %dma_wait3A_37 = tpu.memref_slice %arg3[%mul3A_36] : memref<327680xi32, #tpu.memory_space<hbm>> -> memref<160xi32, #tpu.memory_space<hbm>>
    %dma_wait3A_38 = tpu.memref_slice %arg3[%mul3A_36] : memref<327680xi32, #tpu.memory_space<hbm>> -> memref<160xi32, #tpu.memory_space<hbm>>
    tpu.wait_dma2 semaphore(%arg14 : memref<!tpu.dma_semaphore, #tpu.memory_space<semaphore_mem>>) src(%dma_wait3A_38 : memref<160xi32, #tpu.memory_space<hbm>>) dst(%arg9 : memref<160xi32, #tpu.memory_space<vmem>>)
    %dma_start3A_39 = arith.constant 1 : i32
    %dma_start3A_40 = arith.constant 0 : i32
    %dma_start3A_41 = arith.constant 0 : i32
    %dma_start3A_42 = tpu.memref_slice %arg11[%dma_start3A_39, %dma_start3A_40, %dma_start3A_41] : memref<2x160x128xf32, #tpu.memory_space<vmem>> -> memref<1x160x128xf32, #tpu.memory_space<vmem>>
    %dma_start3A_43 = tpu.memref_squeeze %dma_start3A_42 : memref<1x160x128xf32, #tpu.memory_space<vmem>> -> memref<160x128xf32, #tpu.memory_space<vmem>>
    %dma_start3A_44 = arith.constant 0 : i32
    %dma_start3A_45 = arith.constant 0 : i32
    %dma_start3A_46 = tpu.memref_slice %arg4[%dma_start3A_44, %dma_start3A_45] : memref<10240x128xf32, #tpu.memory_space<hbm>> -> memref<10240x128xf32, #tpu.memory_space<hbm>>
    tpu.enqueue_indirect_dma source(%dma_start3A_46 : memref<10240x128xf32, #tpu.memory_space<hbm>>) target(%dma_start3A_43 : memref<160x128xf32, #tpu.memory_space<vmem>>) offsets(%arg9 : memref<160xi32, #tpu.memory_space<vmem>>) semaphore(%arg17 : memref<!tpu.dma_semaphore, #tpu.memory_space<semaphore_mem>>)
    %barrier3A = arith.constant 0 : index
    tpu.barrier barrier_id(%barrier3A)
    %scan3A = arith.constant 0 : i32
    %scan3A_47 = arith.constant 32 : i32
    %scan3A_48 = arith.addi %scan3A, %scan3A_47 : i32
    %scan3A_49 = arith.constant 1 : i32
    scf.for %scan3A_59 = %scan3A to %scan3A_48 step %scan3A_49  : i32 {
      %mul3A_60 = arith.constant 2 : i32
      %mul3A_61 = arith.muli %scan3A_59, %mul3A_60 : i32
      %add3A_62 = arith.constant 0 : i32
      %add3A_63 = arith.addi %add3A_62, %mul3A_61 : i32
      %dma_wait3A_64 = arith.constant 0 : i32
      %dma_wait3A_65 = arith.constant 0 : i32
      %dma_wait3A_66 = arith.constant 0 : i32
      %dma_wait3A_67 = tpu.memref_slice %arg11[%dma_wait3A_64, %dma_wait3A_65, %dma_wait3A_66] : memref<2x160x128xf32, #tpu.memory_space<vmem>> -> memref<1x160x128xf32, #tpu.memory_space<vmem>>
      %dma_wait3A_68 = tpu.memref_squeeze %dma_wait3A_67 : memref<1x160x128xf32, #tpu.memory_space<vmem>> -> memref<160x128xf32, #tpu.memory_space<vmem>>
      %dma_wait3A_69 = arith.constant 0 : i32
      %dma_wait3A_70 = arith.constant 0 : i32
      %dma_wait3A_71 = tpu.memref_slice %arg4[%dma_wait3A_69, %dma_wait3A_70] : memref<10240x128xf32, #tpu.memory_space<hbm>> -> memref<10240x128xf32, #tpu.memory_space<hbm>>
      tpu.wait_indirect_dma semaphore(%arg16 : memref<!tpu.dma_semaphore, #tpu.memory_space<semaphore_mem>>) src(%dma_wait3A_71 : memref<10240x128xf32, #tpu.memory_space<hbm>>) dst(%dma_wait3A_68 : memref<160x128xf32, #tpu.memory_space<vmem>>)
      %mul3A_72 = arith.constant 10240 : i32
      %mul3A_73 = arith.muli %add3A, %mul3A_72 : i32
      %dma_wait3A_74 = tpu.memref_slice %arg2[%mul3A_73] : memref<327680xi32, #tpu.memory_space<hbm>> -> memref<160xi32, #tpu.memory_space<hbm>>
      %dma_wait3A_75 = tpu.memref_slice %arg2[%mul3A_73] : memref<327680xi32, #tpu.memory_space<hbm>> -> memref<160xi32, #tpu.memory_space<hbm>>
      tpu.wait_dma2 semaphore(%arg13 : memref<!tpu.dma_semaphore, #tpu.memory_space<semaphore_mem>>) src(%dma_wait3A_75 : memref<160xi32, #tpu.memory_space<hbm>>) dst(%arg8 : memref<160xi32, #tpu.memory_space<vmem>>)
      %run_scoped3A = arith.constant 0 : i32
      "tpu.region"() ({
        %run_scoped3A_100 = tpu.sem_alloc : memref<!tpu.dma_semaphore, #tpu.memory_space<semaphore_mem>>
        %dma_start3A_101 = arith.constant 0 : i32
        %dma_start3A_102 = arith.constant 0 : i32
        %dma_start3A_103 = tpu.memref_slice %arg11[%run_scoped3A, %dma_start3A_101, %dma_start3A_102] : memref<2x160x128xf32, #tpu.memory_space<vmem>> -> memref<1x160x128xf32, #tpu.memory_space<vmem>>
        %dma_start3A_104 = tpu.memref_squeeze %dma_start3A_103 : memref<1x160x128xf32, #tpu.memory_space<vmem>> -> memref<160x128xf32, #tpu.memory_space<vmem>>
        %dma_start3A_105 = arith.constant 0 : i32
        %dma_start3A_106 = arith.constant 0 : i32
        %dma_start3A_107 = tpu.memref_slice %arg18[%dma_start3A_105, %dma_start3A_106] : memref<10240x128xf32, #tpu.memory_space<vmem_shared>> -> memref<10240x128xf32, #tpu.memory_space<vmem_shared>>
        tpu.enqueue_indirect_dma source(%dma_start3A_104 : memref<160x128xf32, #tpu.memory_space<vmem>>) target(%dma_start3A_107 : memref<10240x128xf32, #tpu.memory_space<vmem_shared>>) offsets(%arg8 : memref<160xi32, #tpu.memory_space<vmem>>) semaphore(%run_scoped3A_100 : memref<!tpu.dma_semaphore, #tpu.memory_space<semaphore_mem>>) {add = true}
        %dma_wait3A_108 = arith.constant 0 : i32
        %dma_wait3A_109 = arith.constant 0 : i32
        %dma_wait3A_110 = tpu.memref_slice %arg11[%run_scoped3A, %dma_wait3A_108, %dma_wait3A_109] : memref<2x160x128xf32, #tpu.memory_space<vmem>> -> memref<1x160x128xf32, #tpu.memory_space<vmem>>
        %dma_wait3A_111 = tpu.memref_squeeze %dma_wait3A_110 : memref<1x160x128xf32, #tpu.memory_space<vmem>> -> memref<160x128xf32, #tpu.memory_space<vmem>>
        %dma_wait3A_112 = arith.constant 0 : i32
        %dma_wait3A_113 = arith.constant 0 : i32
        %dma_wait3A_114 = tpu.memref_slice %arg18[%dma_wait3A_112, %dma_wait3A_113] : memref<10240x128xf32, #tpu.memory_space<vmem_shared>> -> memref<10240x128xf32, #tpu.memory_space<vmem_shared>>
        tpu.wait_indirect_dma semaphore(%run_scoped3A_100 : memref<!tpu.dma_semaphore, #tpu.memory_space<semaphore_mem>>) src(%dma_wait3A_111 : memref<160x128xf32, #tpu.memory_space<vmem>>) dst(%dma_wait3A_114 : memref<10240x128xf32, #tpu.memory_space<vmem_shared>>)
        tpu.yield
      }) : () -> ()
      %add3A_76 = arith.constant 2 : i32
      %add3A_77 = arith.addi %add3A_63, %add3A_76 : i32
      %lt3A = arith.constant 64 : i32
      %lt3A_78 = arith.cmpi slt, %add3A_77, %lt3A : i32
      %convert_element_type3A = arith.extui %lt3A_78 : i1 to i32
      %cond3A = arith.constant 0 : i32
      %cond3A_79 = arith.cmpi ne, %convert_element_type3A, %cond3A : i32
      scf.if %cond3A_79 {
        %mul3A_100 = arith.constant 10240 : i32
        %mul3A_101 = arith.muli %add3A, %mul3A_100 : i32
        %add3A_102 = arith.constant 2 : i32
        %add3A_103 = arith.addi %add3A_63, %add3A_102 : i32
        %mul3A_104 = arith.constant 160 : i32
        %mul3A_105 = arith.muli %add3A_103, %mul3A_104 : i32
        %add3A_106 = arith.addi %mul3A_101, %mul3A_105 : i32
        %dma_start3A_107 = tpu.memref_slice %arg3[%add3A_106] : memref<327680xi32, #tpu.memory_space<hbm>> -> memref<160xi32, #tpu.memory_space<hbm>>
        %dma_start3A_108 = tpu.memref_slice %arg3[%add3A_106] : memref<327680xi32, #tpu.memory_space<hbm>> -> memref<160xi32, #tpu.memory_space<hbm>>
        tpu.enqueue_dma source(%dma_start3A_108 : memref<160xi32, #tpu.memory_space<hbm>>) target(%arg7 : memref<160xi32, #tpu.memory_space<vmem>>) target_semaphore(%arg12 : memref<!tpu.dma_semaphore, #tpu.memory_space<semaphore_mem>>)
        %mul3A_109 = arith.constant 10240 : i32
        %mul3A_110 = arith.muli %add3A, %mul3A_109 : i32
        %add3A_111 = arith.constant 2 : i32
        %add3A_112 = arith.addi %add3A_63, %add3A_111 : i32
        %mul3A_113 = arith.constant 160 : i32
        %mul3A_114 = arith.muli %add3A_112, %mul3A_113 : i32
        %add3A_115 = arith.addi %mul3A_110, %mul3A_114 : i32
        %dma_start3A_116 = tpu.memref_slice %arg2[%add3A_115] : memref<327680xi32, #tpu.memory_space<hbm>> -> memref<160xi32, #tpu.memory_space<hbm>>
        %dma_start3A_117 = tpu.memref_slice %arg2[%add3A_115] : memref<327680xi32, #tpu.memory_space<hbm>> -> memref<160xi32, #tpu.memory_space<hbm>>
        tpu.enqueue_dma source(%dma_start3A_117 : memref<160xi32, #tpu.memory_space<hbm>>) target(%arg8 : memref<160xi32, #tpu.memory_space<vmem>>) target_semaphore(%arg13 : memref<!tpu.dma_semaphore, #tpu.memory_space<semaphore_mem>>)
        %mul3A_118 = arith.constant 10240 : i32
        %mul3A_119 = arith.muli %add3A, %mul3A_118 : i32
        %dma_wait3A_120 = tpu.memref_slice %arg3[%mul3A_119] : memref<327680xi32, #tpu.memory_space<hbm>> -> memref<160xi32, #tpu.memory_space<hbm>>
        %dma_wait3A_121 = tpu.memref_slice %arg3[%mul3A_119] : memref<327680xi32, #tpu.memory_space<hbm>> -> memref<160xi32, #tpu.memory_space<hbm>>
        tpu.wait_dma2 semaphore(%arg12 : memref<!tpu.dma_semaphore, #tpu.memory_space<semaphore_mem>>) src(%dma_wait3A_121 : memref<160xi32, #tpu.memory_space<hbm>>) dst(%arg7 : memref<160xi32, #tpu.memory_space<vmem>>)
        %dma_start3A_122 = arith.constant 0 : i32
        %dma_start3A_123 = arith.constant 0 : i32
        %dma_start3A_124 = arith.constant 0 : i32
        %dma_start3A_125 = tpu.memref_slice %arg11[%dma_start3A_122, %dma_start3A_123, %dma_start3A_124] : memref<2x160x128xf32, #tpu.memory_space<vmem>> -> memref<1x160x128xf32, #tpu.memory_space<vmem>>
        %dma_start3A_126 = tpu.memref_squeeze %dma_start3A_125 : memref<1x160x128xf32, #tpu.memory_space<vmem>> -> memref<160x128xf32, #tpu.memory_space<vmem>>
        %dma_start3A_127 = arith.constant 0 : i32
        %dma_start3A_128 = arith.constant 0 : i32
        %dma_start3A_129 = tpu.memref_slice %arg4[%dma_start3A_127, %dma_start3A_128] : memref<10240x128xf32, #tpu.memory_space<hbm>> -> memref<10240x128xf32, #tpu.memory_space<hbm>>
        tpu.enqueue_indirect_dma source(%dma_start3A_129 : memref<10240x128xf32, #tpu.memory_space<hbm>>) target(%dma_start3A_126 : memref<160x128xf32, #tpu.memory_space<vmem>>) offsets(%arg7 : memref<160xi32, #tpu.memory_space<vmem>>) semaphore(%arg16 : memref<!tpu.dma_semaphore, #tpu.memory_space<semaphore_mem>>)
      } else {
      }
      %dma_wait3A_80 = arith.constant 1 : i32
      %dma_wait3A_81 = arith.constant 0 : i32
      %dma_wait3A_82 = arith.constant 0 : i32
      %dma_wait3A_83 = tpu.memref_slice %arg11[%dma_wait3A_80, %dma_wait3A_81, %dma_wait3A_82] : memref<2x160x128xf32, #tpu.memory_space<vmem>> -> memref<1x160x128xf32, #tpu.memory_space<vmem>>
      %dma_wait3A_84 = tpu.memref_squeeze %dma_wait3A_83 : memref<1x160x128xf32, #tpu.memory_space<vmem>> -> memref<160x128xf32, #tpu.memory_space<vmem>>
      %dma_wait3A_85 = arith.constant 0 : i32
      %dma_wait3A_86 = arith.constant 0 : i32
      %dma_wait3A_87 = tpu.memref_slice %arg4[%dma_wait3A_85, %dma_wait3A_86] : memref<10240x128xf32, #tpu.memory_space<hbm>> -> memref<10240x128xf32, #tpu.memory_space<hbm>>
      tpu.wait_indirect_dma semaphore(%arg17 : memref<!tpu.dma_semaphore, #tpu.memory_space<semaphore_mem>>) src(%dma_wait3A_87 : memref<10240x128xf32, #tpu.memory_space<hbm>>) dst(%dma_wait3A_84 : memref<160x128xf32, #tpu.memory_space<vmem>>)
      %mul3A_88 = arith.constant 10240 : i32
      %mul3A_89 = arith.muli %add3A, %mul3A_88 : i32
      %dma_wait3A_90 = tpu.memref_slice %arg2[%mul3A_89] : memref<327680xi32, #tpu.memory_space<hbm>> -> memref<160xi32, #tpu.memory_space<hbm>>
      %dma_wait3A_91 = tpu.memref_slice %arg2[%mul3A_89] : memref<327680xi32, #tpu.memory_space<hbm>> -> memref<160xi32, #tpu.memory_space<hbm>>
      tpu.wait_dma2 semaphore(%arg15 : memref<!tpu.dma_semaphore, #tpu.memory_space<semaphore_mem>>) src(%dma_wait3A_91 : memref<160xi32, #tpu.memory_space<hbm>>) dst(%arg10 : memref<160xi32, #tpu.memory_space<vmem>>)
      %run_scoped3A_92 = arith.constant 1 : i32
      "tpu.region"() ({
        %run_scoped3A_100 = tpu.sem_alloc : memref<!tpu.dma_semaphore, #tpu.memory_space<semaphore_mem>>
        %dma_start3A_101 = arith.constant 0 : i32
        %dma_start3A_102 = arith.constant 0 : i32
        %dma_start3A_103 = tpu.memref_slice %arg11[%run_scoped3A_92, %dma_start3A_101, %dma_start3A_102] : memref<2x160x128xf32, #tpu.memory_space<vmem>> -> memref<1x160x128xf32, #tpu.memory_space<vmem>>
        %dma_start3A_104 = tpu.memref_squeeze %dma_start3A_103 : memref<1x160x128xf32, #tpu.memory_space<vmem>> -> memref<160x128xf32, #tpu.memory_space<vmem>>
        %dma_start3A_105 = arith.constant 0 : i32
        %dma_start3A_106 = arith.constant 0 : i32
        %dma_start3A_107 = tpu.memref_slice %arg18[%dma_start3A_105, %dma_start3A_106] : memref<10240x128xf32, #tpu.memory_space<vmem_shared>> -> memref<10240x128xf32, #tpu.memory_space<vmem_shared>>
        tpu.enqueue_indirect_dma source(%dma_start3A_104 : memref<160x128xf32, #tpu.memory_space<vmem>>) target(%dma_start3A_107 : memref<10240x128xf32, #tpu.memory_space<vmem_shared>>) offsets(%arg10 : memref<160xi32, #tpu.memory_space<vmem>>) semaphore(%run_scoped3A_100 : memref<!tpu.dma_semaphore, #tpu.memory_space<semaphore_mem>>) {add = true}
        %dma_wait3A_108 = arith.constant 0 : i32
        %dma_wait3A_109 = arith.constant 0 : i32
        %dma_wait3A_110 = tpu.memref_slice %arg11[%run_scoped3A_92, %dma_wait3A_108, %dma_wait3A_109] : memref<2x160x128xf32, #tpu.memory_space<vmem>> -> memref<1x160x128xf32, #tpu.memory_space<vmem>>
        %dma_wait3A_111 = tpu.memref_squeeze %dma_wait3A_110 : memref<1x160x128xf32, #tpu.memory_space<vmem>> -> memref<160x128xf32, #tpu.memory_space<vmem>>
        %dma_wait3A_112 = arith.constant 0 : i32
        %dma_wait3A_113 = arith.constant 0 : i32
        %dma_wait3A_114 = tpu.memref_slice %arg18[%dma_wait3A_112, %dma_wait3A_113] : memref<10240x128xf32, #tpu.memory_space<vmem_shared>> -> memref<10240x128xf32, #tpu.memory_space<vmem_shared>>
        tpu.wait_indirect_dma semaphore(%run_scoped3A_100 : memref<!tpu.dma_semaphore, #tpu.memory_space<semaphore_mem>>) src(%dma_wait3A_111 : memref<160x128xf32, #tpu.memory_space<vmem>>) dst(%dma_wait3A_114 : memref<10240x128xf32, #tpu.memory_space<vmem_shared>>)
        tpu.yield
      }) : () -> ()
      %add3A_93 = arith.constant 3 : i32
      %add3A_94 = arith.addi %add3A_63, %add3A_93 : i32
      %lt3A_95 = arith.constant 64 : i32
      %lt3A_96 = arith.cmpi slt, %add3A_94, %lt3A_95 : i32
      %convert_element_type3A_97 = arith.extui %lt3A_96 : i1 to i32
      %cond3A_98 = arith.constant 0 : i32
      %cond3A_99 = arith.cmpi ne, %convert_element_type3A_97, %cond3A_98 : i32
      scf.if %cond3A_99 {
        %mul3A_100 = arith.constant 10240 : i32
        %mul3A_101 = arith.muli %add3A, %mul3A_100 : i32
        %add3A_102 = arith.constant 3 : i32
        %add3A_103 = arith.addi %add3A_63, %add3A_102 : i32
        %mul3A_104 = arith.constant 160 : i32
        %mul3A_105 = arith.muli %add3A_103, %mul3A_104 : i32
        %add3A_106 = arith.addi %mul3A_101, %mul3A_105 : i32
        %dma_start3A_107 = tpu.memref_slice %arg3[%add3A_106] : memref<327680xi32, #tpu.memory_space<hbm>> -> memref<160xi32, #tpu.memory_space<hbm>>
        %dma_start3A_108 = tpu.memref_slice %arg3[%add3A_106] : memref<327680xi32, #tpu.memory_space<hbm>> -> memref<160xi32, #tpu.memory_space<hbm>>
        tpu.enqueue_dma source(%dma_start3A_108 : memref<160xi32, #tpu.memory_space<hbm>>) target(%arg9 : memref<160xi32, #tpu.memory_space<vmem>>) target_semaphore(%arg14 : memref<!tpu.dma_semaphore, #tpu.memory_space<semaphore_mem>>)
        %mul3A_109 = arith.constant 10240 : i32
        %mul3A_110 = arith.muli %add3A, %mul3A_109 : i32
        %add3A_111 = arith.constant 3 : i32
        %add3A_112 = arith.addi %add3A_63, %add3A_111 : i32
        %mul3A_113 = arith.constant 160 : i32
        %mul3A_114 = arith.muli %add3A_112, %mul3A_113 : i32
        %add3A_115 = arith.addi %mul3A_110, %mul3A_114 : i32
        %dma_start3A_116 = tpu.memref_slice %arg2[%add3A_115] : memref<327680xi32, #tpu.memory_space<hbm>> -> memref<160xi32, #tpu.memory_space<hbm>>
        %dma_start3A_117 = tpu.memref_slice %arg2[%add3A_115] : memref<327680xi32, #tpu.memory_space<hbm>> -> memref<160xi32, #tpu.memory_space<hbm>>
        tpu.enqueue_dma source(%dma_start3A_117 : memref<160xi32, #tpu.memory_space<hbm>>) target(%arg10 : memref<160xi32, #tpu.memory_space<vmem>>) target_semaphore(%arg15 : memref<!tpu.dma_semaphore, #tpu.memory_space<semaphore_mem>>)
        %mul3A_118 = arith.constant 10240 : i32
        %mul3A_119 = arith.muli %add3A, %mul3A_118 : i32
        %dma_wait3A_120 = tpu.memref_slice %arg3[%mul3A_119] : memref<327680xi32, #tpu.memory_space<hbm>> -> memref<160xi32, #tpu.memory_space<hbm>>
        %dma_wait3A_121 = tpu.memref_slice %arg3[%mul3A_119] : memref<327680xi32, #tpu.memory_space<hbm>> -> memref<160xi32, #tpu.memory_space<hbm>>
        tpu.wait_dma2 semaphore(%arg14 : memref<!tpu.dma_semaphore, #tpu.memory_space<semaphore_mem>>) src(%dma_wait3A_121 : memref<160xi32, #tpu.memory_space<hbm>>) dst(%arg9 : memref<160xi32, #tpu.memory_space<vmem>>)
        %dma_start3A_122 = arith.constant 1 : i32
        %dma_start3A_123 = arith.constant 0 : i32
        %dma_start3A_124 = arith.constant 0 : i32
        %dma_start3A_125 = tpu.memref_slice %arg11[%dma_start3A_122, %dma_start3A_123, %dma_start3A_124] : memref<2x160x128xf32, #tpu.memory_space<vmem>> -> memref<1x160x128xf32, #tpu.memory_space<vmem>>
        %dma_start3A_126 = tpu.memref_squeeze %dma_start3A_125 : memref<1x160x128xf32, #tpu.memory_space<vmem>> -> memref<160x128xf32, #tpu.memory_space<vmem>>
        %dma_start3A_127 = arith.constant 0 : i32
        %dma_start3A_128 = arith.constant 0 : i32
        %dma_start3A_129 = tpu.memref_slice %arg4[%dma_start3A_127, %dma_start3A_128] : memref<10240x128xf32, #tpu.memory_space<hbm>> -> memref<10240x128xf32, #tpu.memory_space<hbm>>
        tpu.enqueue_indirect_dma source(%dma_start3A_129 : memref<10240x128xf32, #tpu.memory_space<hbm>>) target(%dma_start3A_126 : memref<160x128xf32, #tpu.memory_space<vmem>>) offsets(%arg9 : memref<160xi32, #tpu.memory_space<vmem>>) semaphore(%arg17 : memref<!tpu.dma_semaphore, #tpu.memory_space<semaphore_mem>>)
      } else {
      }
    }
    %scan3A_50 = arith.constant 32 : i32
    %barrier3A_51 = arith.constant 0 : index
    tpu.barrier barrier_id(%barrier3A_51)
    %mul3A_52 = arith.constant 640 : i32
    %mul3A_53 = arith.muli %arg1, %mul3A_52 : i32
    %mul3A_54 = arith.constant 10240 : i32
    %mul3A_55 = arith.muli %arg0, %mul3A_54 : i32
    %mul3A_56 = arith.constant 640 : i32
    %mul3A_57 = arith.muli %arg1, %mul3A_56 : i32
    %add3A_58 = arith.addi %mul3A_55, %mul3A_57 : i32
    "tpu.region"() ({
      %run_scoped3A = tpu.sem_alloc : memref<!tpu.dma_semaphore, #tpu.memory_space<semaphore_mem>>
      %dma_start3A_59 = arith.constant 0 : i32
      %dma_start3A_60 = tpu.memref_slice %arg6[%add3A_58, %dma_start3A_59] : memref<20480x128xf32, #tpu.memory_space<hbm>> -> memref<640x128xf32, #tpu.memory_space<hbm>>
      %dma_start3A_61 = arith.constant 0 : i32
      %dma_start3A_62 = tpu.memref_slice %arg18[%mul3A_53, %dma_start3A_61] : memref<10240x128xf32, #tpu.memory_space<vmem_shared>> -> memref<640x128xf32, #tpu.memory_space<vmem_shared>>
      tpu.enqueue_dma source(%dma_start3A_62 : memref<640x128xf32, #tpu.memory_space<vmem_shared>>) target(%dma_start3A_60 : memref<640x128xf32, #tpu.memory_space<hbm>>) target_semaphore(%run_scoped3A : memref<!tpu.dma_semaphore, #tpu.memory_space<semaphore_mem>>)
      %dma_wait3A_63 = arith.constant 0 : i32
      %dma_wait3A_64 = tpu.memref_slice %arg6[%add3A_58, %dma_wait3A_63] : memref<20480x128xf32, #tpu.memory_space<hbm>> -> memref<640x128xf32, #tpu.memory_space<hbm>>
      %dma_wait3A_65 = arith.constant 0 : i32
      %dma_wait3A_66 = tpu.memref_slice %arg18[%mul3A_53, %dma_wait3A_65] : memref<10240x128xf32, #tpu.memory_space<vmem_shared>> -> memref<640x128xf32, #tpu.memory_space<vmem_shared>>
      tpu.wait_dma2 semaphore(%run_scoped3A : memref<!tpu.dma_semaphore, #tpu.memory_space<semaphore_mem>>) src(%dma_wait3A_66 : memref<640x128xf32, #tpu.memory_space<vmem_shared>>) dst(%dma_wait3A_64 : memref<640x128xf32, #tpu.memory_space<hbm>>)
      tpu.yield
    }) : () -> ()
    return
  }
}

module attributes {stable_mosaic.version = 14 : i64} {
  func.func @body(%arg0: i32, %arg1: memref<2x1024x128xf32, #tpu.memory_space<vmem>>, %arg2: memref<1024x128xf32, #tpu.memory_space<vmem>>, %arg3: memref<1024x128xf32, #tpu.memory_space<vmem>>, %arg4: memref<1024x128xf32, #tpu.memory_space<vmem>>) attributes {dimension_semantics = [#tpu.dimension_semantics<arbitrary>], iteration_bounds = array<i64: 10>, scalar_prefetch = 0 : i64, scratch_operands = 0 : i64, tpu.core_type = #tpu.core_type<tc>, window_params = [{transform_indices = @transform_0, window_bounds = array<i64: 2, 1024, 128>}, {transform_indices = @transform_1, window_bounds = array<i64: 1024, 128>}, {transform_indices = @transform_2, window_bounds = array<i64: 1024, 128>}, {transform_indices = @transform_3, window_bounds = array<i64: 1024, 128>}]} {
    %get3A = arith.constant 0 : index
    %get3A_0 = arith.constant 0 : index
    %get3A_1 = arith.constant 0 : index
    %get3A_2 = vector.load %arg1[%get3A, %get3A_0, %get3A_1] : memref<2x1024x128xf32, #tpu.memory_space<vmem>>, vector<1x1024x1xf32>
    %get3A_3 = vector.shape_cast %get3A_2 : vector<1x1024x1xf32> to vector<1024x1xf32>
    %get3A_4 = arith.constant 1 : index
    %get3A_5 = arith.constant 0 : index
    %get3A_6 = arith.constant 0 : index
    %get3A_7 = vector.load %arg1[%get3A_4, %get3A_5, %get3A_6] : memref<2x1024x128xf32, #tpu.memory_space<vmem>>, vector<1x1024x1xf32>
    %get3A_8 = vector.shape_cast %get3A_7 : vector<1x1024x1xf32> to vector<1024x1xf32>
    %add3A = arith.addf %get3A_3, %get3A_8 : vector<1024x1xf32>
    %add3A_9 = arith.constant 1.000000e-10 : f32
    %add3A_10 = vector.broadcast %add3A_9 : f32 to vector<1024x1xf32>
    %add3A_11 = arith.addf %add3A, %add3A_10 : vector<1024x1xf32>
    %rsqrt3A = math.rsqrt %add3A_11 : vector<1024x1xf32>
    %broadcast_in_dim3A = vector.shape_cast %rsqrt3A : vector<1024x1xf32> to vector<1024x1xf32>
    %broadcast_in_dim3A_12 = vector.broadcast %broadcast_in_dim3A : vector<1024x1xf32> to vector<1024x128xf32>
    %swap3A = arith.constant 0 : index
    %swap3A_13 = arith.constant 0 : index
    %swap3A_14 = vector.load %arg3[%swap3A, %swap3A_13] : memref<1024x128xf32, #tpu.memory_space<vmem>>, vector<1024x128xf32>
    tpu.vector_store %arg3[%swap3A, %swap3A_13], %broadcast_in_dim3A_12 {strides = array<i32>} : memref<1024x128xf32, #tpu.memory_space<vmem>>, vector<1024x128xf32>,
    %get3A_15 = arith.constant 0 : index
    %get3A_16 = arith.constant 0 : index
    %get3A_17 = vector.load %arg2[%get3A_15, %get3A_16] : memref<1024x128xf32, #tpu.memory_space<vmem>>, vector<1024x128xf32>
    %mul3A = arith.mulf %get3A_17, %broadcast_in_dim3A_12 : vector<1024x128xf32>
    %swap3A_18 = arith.constant 0 : index
    %swap3A_19 = arith.constant 0 : index
    %swap3A_20 = vector.load %arg4[%swap3A_18, %swap3A_19] : memref<1024x128xf32, #tpu.memory_space<vmem>>, vector<1024x128xf32>
    tpu.vector_store %arg4[%swap3A_18, %swap3A_19], %mul3A {strides = array<i32>} : memref<1024x128xf32, #tpu.memory_space<vmem>>, vector<1024x128xf32>,
    return
  }
  func.func @transform_0(%arg0: i32) -> (i32, i32, i32) {
    %c0_i32 = arith.constant 0 : i32
    %c0_i32_0 = arith.constant 0 : i32
    %c0_i32_1 = arith.constant 0 : i32
    return %c0_i32, %arg0, %c0_i32_0 : i32, i32, i32
  }
  func.func @transform_1(%arg0: i32) -> (i32, i32) {
    %c0_i32 = arith.constant 0 : i32
    %c0_i32_0 = arith.constant 0 : i32
    return %arg0, %c0_i32 : i32, i32
  }
  func.func @transform_2(%arg0: i32) -> (i32, i32) {
    %c0_i32 = arith.constant 0 : i32
    %c0_i32_0 = arith.constant 0 : i32
    return %arg0, %c0_i32 : i32, i32
  }
  func.func @transform_3(%arg0: i32) -> (i32, i32) {
    %c0_i32 = arith.constant 0 : i32
    %c0_i32_0 = arith.constant 0 : i32
    return %arg0, %c0_i32 : i32, i32
  }
}

module attributes {stable_mosaic.version = 14 : i64} {
  func.func @body(%arg0: i32, %arg1: memref<2x1024x128xf32, #tpu.memory_space<vmem>>, %arg2: memref<1024x128xf32, #tpu.memory_space<vmem>>, %arg3: memref<128x128xf32, #tpu.memory_space<vmem>>, %arg4: memref<1024x128xf32, #tpu.memory_space<vmem>>, %arg5: memref<1024x128xf32, #tpu.memory_space<vmem>>, %arg6: memref<1024x128xf32, #tpu.memory_space<vmem>>) attributes {dimension_semantics = [#tpu.dimension_semantics<arbitrary>], iteration_bounds = array<i64: 10>, scalar_prefetch = 0 : i64, scratch_operands = 0 : i64, tpu.core_type = #tpu.core_type<tc>, window_params = [{transform_indices = @transform_0, window_bounds = array<i64: 2, 1024, 128>}, {transform_indices = @transform_1, window_bounds = array<i64: 1024, 128>}, {pipeline_mode = #tpu.pipeline_mode<synchronous>, transform_indices = @transform_2, window_bounds = array<i64: 128, 128>}, {transform_indices = @transform_3, window_bounds = array<i64: 1024, 128>}, {transform_indices = @transform_4, window_bounds = array<i64: 1024, 128>}, {transform_indices = @transform_5, window_bounds = array<i64: 1024, 128>}]} {
    %get3A = arith.constant 0 : index
    %get3A_0 = arith.constant 0 : index
    %get3A_1 = arith.constant 0 : index
    %get3A_2 = vector.load %arg1[%get3A, %get3A_0, %get3A_1] : memref<2x1024x128xf32, #tpu.memory_space<vmem>>, vector<1x1024x128xf32>
    %get3A_3 = vector.shape_cast %get3A_2 : vector<1x1024x128xf32> to vector<1024x128xf32>
    %get3A_4 = arith.constant 1 : index
    %get3A_5 = arith.constant 0 : index
    %get3A_6 = arith.constant 0 : index
    %get3A_7 = vector.load %arg1[%get3A_4, %get3A_5, %get3A_6] : memref<2x1024x128xf32, #tpu.memory_space<vmem>>, vector<1x1024x128xf32>
    %get3A_8 = vector.shape_cast %get3A_7 : vector<1x1024x128xf32> to vector<1024x128xf32>
    %add3A = arith.addf %get3A_3, %get3A_8 : vector<1024x128xf32>
    %get3A_9 = arith.constant 0 : index
    %get3A_10 = arith.constant 0 : index
    %get3A_11 = vector.load %arg3[%get3A_9, %get3A_10] : memref<128x128xf32, #tpu.memory_space<vmem>>, vector<128x128xf32>
    %dot_general3A = arith.constant dense<0.000000e+00> : vector<1024x128xf32>
    %dot_general3A_12 = tpu.matmul %add3A, %get3A_11, %dot_general3A {dimension_numbers = #tpu.dot_dimension_numbers<[1], [0], [0], [1], [0, 0, 1, 1], [], []>, transpose_lhs_hint = false} : vector<1024x128xf32>, vector<128x128xf32>, vector<1024x128xf32> -> vector<1024x128xf32>
    %get3A_13 = arith.constant 0 : index
    %get3A_14 = arith.constant 0 : index
    %get3A_15 = vector.load %arg2[%get3A_13, %get3A_14] : memref<1024x128xf32, #tpu.memory_space<vmem>>, vector<1024x128xf32>
    %mul3A = arith.mulf %get3A_15, %dot_general3A_12 : vector<1024x128xf32>
    %max3A = arith.constant 0.000000e+00 : f32
    %max3A_16 = vector.broadcast %max3A : f32 to vector<1024x128xf32>
    %max3A_17 = arith.maximumf %mul3A, %max3A_16 : vector<1024x128xf32>
    %get3A_18 = arith.constant 0 : index
    %get3A_19 = arith.constant 0 : index
    %get3A_20 = vector.load %arg4[%get3A_18, %get3A_19] : memref<1024x128xf32, #tpu.memory_space<vmem>>, vector<1024x128xf32>
    %add3A_21 = arith.addf %get3A_20, %max3A_17 : vector<1024x128xf32>
    %mul3A_22 = arith.constant 1.000000e+00 : f32
    %mul3A_23 = vector.broadcast %mul3A_22 : f32 to vector<1024x128xf32>
    %mul3A_24 = arith.mulf %add3A_21, %mul3A_23 : vector<1024x128xf32>
    %swap3A = arith.constant 0 : index
    %swap3A_25 = arith.constant 0 : index
    %swap3A_26 = vector.load %arg5[%swap3A, %swap3A_25] : memref<1024x128xf32, #tpu.memory_space<vmem>>, vector<1024x128xf32>
    tpu.vector_store %arg5[%swap3A, %swap3A_25], %mul3A_24 {strides = array<i32>} : memref<1024x128xf32, #tpu.memory_space<vmem>>, vector<1024x128xf32>,
    %mul3A_27 = arith.mulf %get3A_15, %max3A_17 : vector<1024x128xf32>
    %swap3A_28 = arith.constant 0 : index
    %swap3A_29 = arith.constant 0 : index
    %swap3A_30 = vector.load %arg6[%swap3A_28, %swap3A_29] : memref<1024x128xf32, #tpu.memory_space<vmem>>, vector<1024x128xf32>
    tpu.vector_store %arg6[%swap3A_28, %swap3A_29], %mul3A_27 {strides = array<i32>} : memref<1024x128xf32, #tpu.memory_space<vmem>>, vector<1024x128xf32>,
    return
  }
  func.func @transform_0(%arg0: i32) -> (i32, i32, i32) {
    %c0_i32 = arith.constant 0 : i32
    %c0_i32_0 = arith.constant 0 : i32
    %c0_i32_1 = arith.constant 0 : i32
    return %c0_i32, %arg0, %c0_i32_0 : i32, i32, i32
  }
  func.func @transform_1(%arg0: i32) -> (i32, i32) {
    %c0_i32 = arith.constant 0 : i32
    %c0_i32_0 = arith.constant 0 : i32
    return %arg0, %c0_i32 : i32, i32
  }
  func.func @transform_2(%arg0: i32) -> (i32, i32) {
    %c0_i32 = arith.constant 0 : i32
    %c0_i32_0 = arith.constant 0 : i32
    %c0_i32_1 = arith.constant 0 : i32
    return %c0_i32, %c0_i32_0 : i32, i32
  }
  func.func @transform_3(%arg0: i32) -> (i32, i32) {
    %c0_i32 = arith.constant 0 : i32
    %c0_i32_0 = arith.constant 0 : i32
    return %arg0, %c0_i32 : i32, i32
  }
  func.func @transform_4(%arg0: i32) -> (i32, i32) {
    %c0_i32 = arith.constant 0 : i32
    %c0_i32_0 = arith.constant 0 : i32
    return %arg0, %c0_i32 : i32, i32
  }
  func.func @transform_5(%arg0: i32) -> (i32, i32) {
    %c0_i32 = arith.constant 0 : i32
    %c0_i32_0 = arith.constant 0 : i32
    return %arg0, %c0_i32 : i32, i32
  }
}

module attributes {stable_mosaic.version = 14 : i64} {
  func.func @body(%arg0: i32, %arg1: memref<2x1024x128xf32, #tpu.memory_space<vmem>>, %arg2: memref<1024x128xf32, #tpu.memory_space<vmem>>, %arg3: memref<128x128xf32, #tpu.memory_space<vmem>>, %arg4: memref<1024x128xf32, #tpu.memory_space<vmem>>, %arg5: memref<1024x128xf32, #tpu.memory_space<vmem>>, %arg6: memref<1024x128xf32, #tpu.memory_space<vmem>>) attributes {dimension_semantics = [#tpu.dimension_semantics<arbitrary>], iteration_bounds = array<i64: 10>, scalar_prefetch = 0 : i64, scratch_operands = 0 : i64, tpu.core_type = #tpu.core_type<tc>, window_params = [{transform_indices = @transform_0, window_bounds = array<i64: 2, 1024, 128>}, {transform_indices = @transform_1, window_bounds = array<i64: 1024, 128>}, {pipeline_mode = #tpu.pipeline_mode<synchronous>, transform_indices = @transform_2, window_bounds = array<i64: 128, 128>}, {transform_indices = @transform_3, window_bounds = array<i64: 1024, 128>}, {transform_indices = @transform_4, window_bounds = array<i64: 1024, 128>}, {transform_indices = @transform_5, window_bounds = array<i64: 1024, 128>}]} {
    %get3A = arith.constant 0 : index
    %get3A_0 = arith.constant 0 : index
    %get3A_1 = arith.constant 0 : index
    %get3A_2 = vector.load %arg1[%get3A, %get3A_0, %get3A_1] : memref<2x1024x128xf32, #tpu.memory_space<vmem>>, vector<1x1024x128xf32>
    %get3A_3 = vector.shape_cast %get3A_2 : vector<1x1024x128xf32> to vector<1024x128xf32>
    %get3A_4 = arith.constant 1 : index
    %get3A_5 = arith.constant 0 : index
    %get3A_6 = arith.constant 0 : index
    %get3A_7 = vector.load %arg1[%get3A_4, %get3A_5, %get3A_6] : memref<2x1024x128xf32, #tpu.memory_space<vmem>>, vector<1x1024x128xf32>
    %get3A_8 = vector.shape_cast %get3A_7 : vector<1x1024x128xf32> to vector<1024x128xf32>
    %add3A = arith.addf %get3A_3, %get3A_8 : vector<1024x128xf32>
    %get3A_9 = arith.constant 0 : index
    %get3A_10 = arith.constant 0 : index
    %get3A_11 = vector.load %arg3[%get3A_9, %get3A_10] : memref<128x128xf32, #tpu.memory_space<vmem>>, vector<128x128xf32>
    %dot_general3A = arith.constant dense<0.000000e+00> : vector<1024x128xf32>
    %dot_general3A_12 = tpu.matmul %add3A, %get3A_11, %dot_general3A {dimension_numbers = #tpu.dot_dimension_numbers<[1], [0], [0], [1], [0, 0, 1, 1], [], []>, transpose_lhs_hint = false} : vector<1024x128xf32>, vector<128x128xf32>, vector<1024x128xf32> -> vector<1024x128xf32>
    %get3A_13 = arith.constant 0 : index
    %get3A_14 = arith.constant 0 : index
    %get3A_15 = vector.load %arg2[%get3A_13, %get3A_14] : memref<1024x128xf32, #tpu.memory_space<vmem>>, vector<1024x128xf32>
    %mul3A = arith.mulf %get3A_15, %dot_general3A_12 : vector<1024x128xf32>
    %max3A = arith.constant 0.000000e+00 : f32
    %max3A_16 = vector.broadcast %max3A : f32 to vector<1024x128xf32>
    %max3A_17 = arith.maximumf %mul3A, %max3A_16 : vector<1024x128xf32>
    %get3A_18 = arith.constant 0 : index
    %get3A_19 = arith.constant 0 : index
    %get3A_20 = vector.load %arg4[%get3A_18, %get3A_19] : memref<1024x128xf32, #tpu.memory_space<vmem>>, vector<1024x128xf32>
    %add3A_21 = arith.addf %get3A_20, %max3A_17 : vector<1024x128xf32>
    %mul3A_22 = arith.constant 2.500000e-01 : f32
    %mul3A_23 = vector.broadcast %mul3A_22 : f32 to vector<1024x128xf32>
    %mul3A_24 = arith.mulf %add3A_21, %mul3A_23 : vector<1024x128xf32>
    %swap3A = arith.constant 0 : index
    %swap3A_25 = arith.constant 0 : index
    %swap3A_26 = vector.load %arg5[%swap3A, %swap3A_25] : memref<1024x128xf32, #tpu.memory_space<vmem>>, vector<1024x128xf32>
    tpu.vector_store %arg5[%swap3A, %swap3A_25], %mul3A_24 {strides = array<i32>} : memref<1024x128xf32, #tpu.memory_space<vmem>>, vector<1024x128xf32>,
    %mul3A_27 = arith.mulf %get3A_15, %max3A_17 : vector<1024x128xf32>
    %swap3A_28 = arith.constant 0 : index
    %swap3A_29 = arith.constant 0 : index
    %swap3A_30 = vector.load %arg6[%swap3A_28, %swap3A_29] : memref<1024x128xf32, #tpu.memory_space<vmem>>, vector<1024x128xf32>
    tpu.vector_store %arg6[%swap3A_28, %swap3A_29], %mul3A_27 {strides = array<i32>} : memref<1024x128xf32, #tpu.memory_space<vmem>>, vector<1024x128xf32>,
    return
  }
  func.func @transform_0(%arg0: i32) -> (i32, i32, i32) {
    %c0_i32 = arith.constant 0 : i32
    %c0_i32_0 = arith.constant 0 : i32
    %c0_i32_1 = arith.constant 0 : i32
    return %c0_i32, %arg0, %c0_i32_0 : i32, i32, i32
  }
  func.func @transform_1(%arg0: i32) -> (i32, i32) {
    %c0_i32 = arith.constant 0 : i32
    %c0_i32_0 = arith.constant 0 : i32
    return %arg0, %c0_i32 : i32, i32
  }
  func.func @transform_2(%arg0: i32) -> (i32, i32) {
    %c0_i32 = arith.constant 0 : i32
    %c0_i32_0 = arith.constant 0 : i32
    %c0_i32_1 = arith.constant 0 : i32
    return %c0_i32, %c0_i32_0 : i32, i32
  }
  func.func @transform_3(%arg0: i32) -> (i32, i32) {
    %c0_i32 = arith.constant 0 : i32
    %c0_i32_0 = arith.constant 0 : i32
    return %arg0, %c0_i32 : i32, i32
  }
  func.func @transform_4(%arg0: i32) -> (i32, i32) {
    %c0_i32 = arith.constant 0 : i32
    %c0_i32_0 = arith.constant 0 : i32
    return %arg0, %c0_i32 : i32, i32
  }
  func.func @transform_5(%arg0: i32) -> (i32, i32) {
    %c0_i32 = arith.constant 0 : i32
    %c0_i32_0 = arith.constant 0 : i32
    return %arg0, %c0_i32 : i32, i32
  }
}

</mosaic_0001>

<sc_bundles>
// kernel: kernel.10.cloned.1.call-start
scs
__scs_entry_jumppad:
0x0: {  	(pc) =	sbr.rel $0x88, $3  }
0x1: {  	(tag) =	ssettag $0x0;
	lr =	simm.s32 $0x1  }
0x2: {  	[smem:$0x3F9D] =	sst lr;
	_ =	strace $0xD0000000  }
0x3: {  	_ = 	snop  }
0x4: {  	_ = 	snop  }
0x5: {  	_ = 	snop  }
0x6: {  	_ = 	snop  }
0x7: {  	_ = 	snop  }
__scs_overlays_trampoline_lowered:
0x8: {  	[smem:$0x3FAC] =	sst s0  }
0x9: {  	[smem:$0x3FAD] =	sst s1  }
0xa: {  	[smem:$0x3FAE] =	sst s2  }
0xb: {  	[smem:$0x3FAF] =	sst s3  }
0xc: {  	[smem:$0x3FB0] =	sst s4  }
0xd: {  	[smem:$0x3FB1] =	sst s5  }
0xe: {  	[smem:$0x3FB2] =	sst s6  }
0xf: {  	[smem:$0x3FB3] =	sst s7  }
0x10: {  	[smem:$0x3FB4] =	sst s8  }
0x11: {  	[smem:$0x3FB5] =	sst s9;
	s0 =	simm.s32 @!p0 $0x0  }
0x12: {  	s1 =	sld [smem:$0x3F9B];
	s0 =	simm.s32 @p0 $0x1  }
0x13: {  	[smem:$0x3FB6] =	sst s0;
	s0 =	simm.s32 @!p1 $0x0  }
0x14: {  	s2 =	sld [smem:$0x3F9A];
	s0 =	simm.s32 @p1 $0x1  }
0x15: {  	[smem:$0x3FB7] =	sst s0;
	s0 =	simm.s32 @!p2 $0x0  }
0x16: {  	s3 =	sld [smem:$0x3FDB];
	s0 =	simm.s32 @p2 $0x1  }
0x17: {  	s4 =	simm.s32 $0x1BF5;
	[smem:$0x3FB9] =	sst s0  }
0x18: {  	s0 =	sld [smem:$0x3F9C];
	_ =	swait.ge [sflag:s4], $0x0  }
0x19: {  	s7 =	sld [smem:$0x3F9D]  }
0x1a: {  	s8 =	sadd.s32 $0xFFFFE003, lr  }
0x1b: {  	s9 =	sadd.s32 $0xFFFFFEF7, lr;
	s5 =	simm.s32 $0xFFFFFFFF;
	p2 =	slt.u32 s8, $0xFFFFF086  }
0x1c: {  	p1 =	slt.u32 s9, $0xF7A;
	s5 =	simm.s32 @!p2 $0x0  }
0x1d: {  	s5 =	simm.s32 @p1 $0x1;
	p0 =	seq.s32 s7, s2  }
0x1e: {  	s7 =	smul.u32 @!p0 $0xF7A, s2;
	p2 =	seq.s32 @!p0 s5, $0x0  }
0x1f: {  	s9 =	smul.u32 $0xF7A, s1;
	s8 =	simm.s32 @!p0 $0x1BF5;
	p2 =	por !p2, p0  }
0x20: {  	[sflag:s8] =	ssyncset.s32 @!p0 $0xFFFFF086;
	s6 =	sadd.s32 @!p0 s3, s7;
	s7 =	simm.s32 @!p0 $0x108  }
0x21: {  	s3 =	sadd.s32 s3, s9;
	s6 =	sadd.s32 @!p0 $0x88, s6;
	s7 =	simm.s32 @p2 $0x1082  }
0x22: {  	[simem:s7], [sflag:s8] =	dma.local @!p0 [hbm:s6], $0xF7A  }
0x23: {  	s9 =	sor.u32 $0xD0000000, s2;
	s6 =	simm.s32 $0x108;
	_ =	swait.ge @!p0 [sflag:s8], $0x0  }
0x24: {  	s3 =	sadd.s32 $0x88, s3;
	s6 =	simm.s32 @!p1 $0x1082;
	[sflag:s4] =	ssyncset.s32 $0xFFFFF086  }
0x25: {  	[simem:s6], [sflag:s4] =	dma.local [hbm:s3], $0xF7A  }
0x26: {  	[smem:$0x3F9D] =	sst s1;
	(tag) =	ssettag s2;
	_ =	strace s9  }
0x27: {  	s1 =	sld [smem:$0x3FAD]  }
0x28: {  	s2 =	sld [smem:$0x3FAE]  }
0x29: {  	s4 =	sld [smem:$0x3FB0]  }
0x2a: {  	p0 =	seq.s32 s5, $0x0;
	s5 =	sld [smem:$0x3FB1]  }
0x2b: {  	s6 =	sld [smem:$0x3FB2]  }
0x2c: {  	s7 =	sld [smem:$0x3FB3]  }
0x2d: {  	s3 =	simm.s32 $0x108;
	s8 =	sld [smem:$0x3FB4]  }
0x2e: {  	s3 =	simm.s32 @!p0 $0x1082;
	s9 =	sld [smem:$0x3FB5]  }
0x2f: {  	lr =	sadd.s32 s0, s3;
	s0 =	sld [smem:$0x3FAC]  }
0x30: {  	s3 =	sld [smem:$0x3FAF]  }
0x31: {  	[smem:$0x3FB8] =	sst s10  }
0x32: {  	s10 =	sld [smem:$0x3FB6];
	_ =	sdelay $0x3  }
0x33: {  	p0 =	seq.s32 s10, $0x1;
	s10 =	sld [smem:$0x3FB8];
	_ =	sdelay $0x3  }
0x34: {  	[smem:$0x3FB8] =	sst s10  }
0x35: {  	s10 =	sld [smem:$0x3FB7];
	_ =	sdelay $0x3  }
0x36: {  	p1 =	seq.s32 s10, $0x1;
	s10 =	sld [smem:$0x3FB8];
	_ =	sdelay $0x3  }
0x37: {  	[smem:$0x3FB8] =	sst s10  }
0x38: {  	s10 =	sld [smem:$0x3FB9]  }
0x39: {  	_ = 	snop;
	(pc) =	sbr.ind lr, $3  }
0x3a: {  	_ = 	snop  }
0x3b: {  	_ = 	snop  }
0x3c: {  	p2 =	seq.s32 s10, $0x1;
	s10 =	sld [smem:$0x3FB8]  }
0x3d: {  	_ =	shalt  }
0x3e: {  	_ =	shalt  }
0x3f: {  	_ =	shalt  }
0x40: {  	_ =	shalt  }
0x41: {  	_ =	shalt  }
0x42: {  	_ =	shalt  }
0x43: {  	_ =	shalt  }
0x44: {  	_ =	shalt  }
0x45: {  	_ =	shalt  }
0x46: {  	_ =	shalt  }
0x47: {  	_ =	shalt  }
0x48: {  	_ =	shalt  }
0x49: {  	_ =	shalt  }
0x4a: {  	_ =	shalt  }
0x4b: {  	_ =	shalt  }
0x4c: {  	_ =	shalt  }
0x4d: {  	_ =	shalt  }
0x4e: {  	_ =	shalt  }
0x4f: {  	_ =	shalt  }
0x50: {  	_ =	shalt  }
0x51: {  	_ =	shalt  }
0x52: {  	_ =	shalt  }
0x53: {  	_ =	shalt  }
0x54: {  	_ =	shalt  }
0x55: {  	_ =	shalt  }
0x56: {  	_ =	shalt  }
0x57: {  	_ =	shalt  }
0x58: {  	_ =	shalt  }
0x59: {  	_ =	shalt  }
0x5a: {  	_ =	shalt  }
0x5b: {  	_ =	shalt  }
0x5c: {  	_ =	shalt  }
0x5d: {  	_ =	shalt  }
0x5e: {  	_ =	shalt  }
0x5f: {  	_ =	shalt  }
0x60: {  	_ =	shalt  }
0x61: {  	_ =	shalt  }
0x62: {  	_ =	shalt  }
0x63: {  	_ =	shalt  }
0x64: {  	_ =	shalt  }
0x65: {  	_ =	shalt  }
0x66: {  	_ =	shalt  }
0x67: {  	_ =	shalt  }
0x68: {  	_ =	shalt  }
0x69: {  	_ =	shalt  }
0x6a: {  	_ =	shalt  }
0x6b: {  	_ =	shalt  }
0x6c: {  	_ =	shalt  }
0x6d: {  	_ =	shalt  }
0x6e: {  	_ =	shalt  }
0x6f: {  	_ =	shalt  }
0x70: {  	_ =	shalt  }
0x71: {  	_ =	shalt  }
0x72: {  	_ =	shalt  }
0x73: {  	_ =	shalt  }
0x74: {  	_ =	shalt  }
0x75: {  	_ =	shalt  }
0x76: {  	_ =	shalt  }
0x77: {  	_ =	shalt  }
0x78: {  	_ =	shalt  }
0x79: {  	_ =	shalt  }
0x7a: {  	_ =	shalt  }
0x7b: {  	_ =	shalt  }
0x7c: {  	_ =	shalt  }
0x7d: {  	_ =	shalt  }
0x7e: {  	_ =	shalt  }
0x7f: {  	_ =	shalt  }
0x80: {  	_ =	shalt  }
0x81: {  	_ =	shalt  }
0x82: {  	_ =	shalt  }
0x83: {  	_ =	shalt  }
0x84: {  	_ =	shalt  }
0x85: {  	_ =	shalt  }
0x86: {  	_ =	shalt  }
0x87: {  	_ =	shalt  }
.Lfunc_end0:
.L_simem_size_0:
called_computation_lowered:
.L_overlay_start_0:
0x88: {  	s2 =	sld [smem:$0x3FD9]  }
0x89: {  	s3 =	sld [smem:$0x3FFE];
	_ =	sdelay $0x1  }
0x8a: {  	s1 =	srdreg.scid  }
0x8b: {  	s0 =	sand.u32 $0x1, s1  }
0x8c: {  	s14 =	sshll.u32 s0, $0xA;
	s2 =	sadd.s32 s3, s2  }
0x8d: {  	s2 =	sadd.s32 s2, s14  }
0x8e: {  	[smem:$0x3FC4] =	sst s2  }
0x8f: {  	_ = 	snop  }
0x90: {  	s2 =	sld [smem:$0x3FD0];
	_ =	sdelay $0x2  }
0x91: {  	s15 =	simm.s32 $0xA;
	s4 =	simm.s32 $0x10  }
0x92: {  	[smem:s4], [sflag:s15] =	dma.local [hbm:s2], $0x1  }
0x93: {  	_ =	swait.eq [sflag:s15], $0x1  }
0x94: {  	[sflag:s15] =	ssyncset.done $0x0  }
0x95: {  	[sflag:s15] =	ssyncadd.s32 $0xFFFFFFFF  }
0x96: {  	s16 =	sld [smem:$0x11];
	(tm) =	ssettm $0x1  }
0x97: {  	s17 =	sld [smem:$0x3FFB];
	_ =	sdelay $0x3  }
0x98: {  	_ =	strace s17  }
0x99: {  	s3 =	sld [smem:$0x3FFC];
	_ =	sdelay $0x3  }
0x9a: {  	_ =	strace s3  }
0x9b: {  	s3 =	sld [smem:$0x3FFD];
	_ =	sdelay $0x3  }
0x9c: {  	_ =	strace s3  }
0x9d: {  	_ =	strace $0x8FFFFFFF  }
0x9e: {  	s18 =	sld [smem:$0x3FDB];
	_ =	sdelay $0x1  }
0x9f: {  	s19 =	simm.s32 $_scs_section_size  }
0xa0: {  	s5 =	simm.s32 $_size__tile_overlayer_lowered;
	s6 =	simm.s32 $_tile_overlayer_lowered  }
0xa1: {  	s22 =	simm.s32 $0x1BFF;
	s21 =	sshll.u32 s6, $0x1;
	s3 =	sadd.s32 s19, s18  }
0xa2: {  	s7 =	simm.s32 $0x0;
	s20 =	sshll.u32 s5, $0x1;
	s5 =	sadd.s32 s21, s3  }
0xa3: {  	[timem:s7], [sflag:s22] =	dma.local [hbm:s5], s20  }
0xa4: {  	_ =	swait.ge [sflag:s22], s20  }
0xa5: {  	s4 =	ssub.s32 $0x0, s20;
	[sflag:s22] =	ssyncset.done $0x0  }
0xa6: {  	[sflag:s22] =	ssyncadd.s32 s4;
	_ =	sdelay $0x1  }
0xa7: {  	s23 =	simm.s32 $0x1B8B  }
0xa8: {  	_ =	swait.ge [sflag:s23], $0x1  }
0xa9: {  	[sflag:s23] =	ssyncset.done $0x0  }
0xaa: {  	s25 =	simm.s32 $0x1B8E;
	s24 =	sld [smem:$0x3FFE];
	[sflag:s23] =	ssyncadd.s32 $0xFFFFFFFF  }
0xab: {  	s26 =	simm.s32 $execute0_lowered;
	[smem:$0x3FD2] =	sst s25  }
0xac: {  	s5 =	sshll.u32 s26, $0x1;
	_ =	strace $0x80000046;
	[dreg:$0x1] =	wrdreg $0xFFFFFFFF  }
0xad: {  	s28 =	simm.s32 $_size_execute0_lowered;
	s3 =	sadd.s32 s3, s5;
	[dreg:$0x0] =	wrdreg $0x0  }
0xae: {  	s5 =	sshll.u32 s28, $0x1;
	[dreg:$0x2] =	wrdreg s3  }
0xaf: {  	[dreg:$0x3] =	wrdreg s5  }
0xb0: {  	[dreg:$0x4] =	wrdreg $0xC0  }
0xb1: {  	_ =	task [dreg:s7], $0x5FFFF  }
0xb2: {  	[dreg:$0x1] =	wrdreg $0xFFFFFFFF  }
0xb3: {  	[dreg:$0x0] =	wrdreg $0x60  }
0xb4: {  	[dreg:$0x2] =	wrdreg s16  }
0xb5: {  	[dreg:$0x3] =	wrdreg s24  }
0xb6: {  	[dreg:$0x4] =	wrdreg $0x68000  }
0xb7: {  	[dreg:$0x5] =	wrdreg $0x9  }
0xb8: {  	_ =	task.clear_ibuf [dreg:s7], $0x6FFFF;
	_ =	strace $0x90000046  }
0xb9: {  	s29 =	simm.s32 $0x9;
	_ =	strace $0x80000048  }
0xba: {  	_ =	swait.ge [sflag:s29], $0x1  }
0xbb: {  	[sflag:s29] =	ssyncadd.s32 $0xFFFFFFFF  }
0xbc: {  	_ =	strace $0x90000048  }
0xbd: {  	_ =	sfence  }
0xbe: {  	s30 =	sld [smem:$0x0];
	_ =	sdelay $0x2  }
0xbf: {  	s31 =	sshll.u32 s1, $0xD;
	s1 =	sshrl.u32 s1, $0x2  }
0xc0: {  	s3 =	sand.u32 $0x4000, s31;
	s1 =	sadd.s32 s1, s30  }
0xc1: {  	s0 =	sor.u32 s3, s0;
	s1 =	sshll.u32 s1, $0x11  }
0xc2: {  	s0 =	sor.u32 s1, s0  }
0xc3: {  	s0 =	sadd.s32 $0x8F2B, s0  }
0xc4: {  	[sflag:s0] =	ssyncadd.remote.s32 $0x1  }
0xc5: {  	_ =	sfence.sel $0xFFFF  }
0xc6: {  	[dreg:$0x0] =	wrdreg $0xFFFFFFFF;
	(pc) =	sbr.abs _section_cstart, $3  }
0xc7: {  	[dreg:$0x1] =	wrdreg $0xFFFFFFFF  }
0xc8: {  	_ =	task.clear_ibuf [dreg:s7], $0x2FFFF;
	_ =	strace $0x9FFFFFFF  }
0xc9: {  	(tm) =	ssettm $0x7FFFFFFF  }
tec
execute0_lowered:
.L_overlay_start_1:
0x0: {  	(tag) =	ssettag $0x1  }
0x1: {  	s5 =	rddreg [dreg:$0x0]  }
0x2: {  	s6 =	rddreg [dreg:$0x1]  }
0x3: {  	s2 =	rddreg [dreg:$0x2]  }
0x4: {  	s0 =	rddreg [dreg:$0x3];
	s3 =	simm.s32 $0x0;
	s1 =	stileid.u32  }
0x5: {  	s8 =	srdreg.scid;
	s13 =	simm.s32 $0x80;
	s14 =	simm.s32 $0x0  }
0x6: {  	[smem:$0x7FF] =	sst s3;
	s7 =	smul.u32 $0x2800, s1;
	s4 =	sadd.s32 $0x2200, s6  }
0x7: {  	s8 =	sand.u32 $0x1, s8;
	s11 =	sshll.u32 s1, $0x1;
	s26 =	smul.u32 $0x50000, s1  }
0x8: {  	s31 =	sshll.u32 s1, $0x6;
	_ =	strace $0x80000047;
	s10 =	smul.u32 $0x28000, s8  }
0x9: {  	s12 =	ssub.s32 $0x2, s8;
	s8 =	sor.u32 s8, s11;
	s11 =	sor.u32 $0x1C01, s31  }
0xa: {  	s9 =	sadd.s32 s7, s6;
	s28 =	sshrl.u32 s12, $0x1;
	s8 =	smul.u32 $0x500, s8  }
0xb: {  	s29 =	sshrl.u32 s26, $0x2;
	s7 =	sadd.s32 s7, s10;
	s10 =	ssub.s32 s12, s28  }
0xc: {  	s30 =	sadd.s32 s29, s2;
	s7 =	sadd.s32 s7, s6;
	s5 =	sadd.s32 s5, s8  }
0xd: {  	s6 =	sadd.s32 $0x2A00, s9;
	s8 =	smax.u32 s10, $0x1;
	s9 =	simm.s32 $0x1  }
0xe: {  	s10 =	simm.s32 $0x2800;
	s12 =	sshrl.u32 s30, $0x3;
	s7 =	sadd.s32 $0x2AA00, s7  }
.LBB2_1:
0xf: {  	[tilespmem:s3], [sflag:$0x1] =	stream.linear.gather [hbm4b:s5+s3], $0x2800, $0x38;
	[tilespmem:$0x1A800] =	vst v63  }
0x10: {  	_ =	swait.ge [sflag:s9], $0x2800  }
0x11: {  	[sflag:s9] =	ssyncset.done $0x0  }
0x12: {  	[sflag:s9] =	ssyncadd.s32 $0xFFFFD800  }
0x13: {  	[tilespmem:s10], [sflag:$0x1] =	stream.linear.gather [hbm4b:s4+s3], $0x4000, $0x38;
	[tilespmem:$0x1A800] =	vst v63  }
0x14: {  	_ =	swait.ge [sflag:s9], $0x4000  }
0x15: {  	[sflag:s9] =	ssyncset.done $0x0  }
0x16: {  	[sflag:s9] =	ssyncadd.s32 $0xFFFFC000  }
0x17: {  	[spmem:s12], [sflag:s11] =	dma.local [hbm:s6], $0x2800  }
0x18: {  	_ =	swait.ge [sflag:s9], $0x2800  }
0x19: {  	[sflag:s9] =	ssyncset.done $0x0  }
0x1a: {  	[sflag:s9] =	ssyncadd.s32 $0xFFFFD800  }
0x1b: {  	s15 =	simm.s32 $0x0;
	[bflag:$0x0] =	sbarrier.arrive $0xFFFF  }
0x1c: {  	[spmem:s2] =	stream.indirect.scatter.add.f32 [tilespmem:s10], [sflag:$0x1], $0x80, s15, s13, $0xb8;
	[tilespmem:$0x1A800] =	vst v63  }
0x1d: {  	_ =	swait.ge [sflag:s9], $0x4000  }
0x1e: {  	s15 =	simm.s32 $0x200;
	[sflag:s9] =	ssyncset.done $0x0  }
.LBB2_2:
0x1f: {  	s16 =	sshra.s32 s15, $0x2;
	[sflag:s9] =	ssyncadd.s32 $0xFFFFC000;
	p0 =	sne.s32 s15, $0x9E00  }
0x20: {  	[spmem:s2] =	stream.indirect.scatter.add.f32 [tilespmem:s10], [sflag:$0x1], $0x80, s16, s13, $0xb8;
	[tilespmem:$0x1A800] =	vst v63  }
.Ltmp0:
0x21: {  	_ = 	snop;
	(pc) =	sbr.rel @p0 .LBB2_2-.Ltmp0, $4  }
0x22: {  	_ = 	snop  }
0x23: {  	s15 =	sadd.s32 $0x200, s15  }
0x24: {  	_ =	swait.ge [sflag:s9], $0x4000  }
0x25: {  	[sflag:s9] =	ssyncset.done $0x0  }
0x26: {  	s14 =	sadd.s32 $0x1, s14  }
0x27: {  	[sflag:s9] =	ssyncadd.s32 $0xFFFFC000;
	p0 =	sne.s32 s14, s8  }
.Ltmp1:
0x28: {  	[bflag:$0x0] =	sbarrier.arrive $0xFFFF;
	(pc) =	sbr.rel @p0 .LBB2_1-.Ltmp1, $4  }
0x29: {  	[hbm:s7], [sflag:s11] =	dma.local [spmem:s12], $0x2800  }
0x2a: {  	_ =	swait.ge [sflag:s9], $0x2800  }
0x2b: {  	[sflag:s9] =	ssyncset.done $0x0  }
0x2c: {  	[sflag:s9] =	ssyncadd.s32 $0xFFFFD800  }
0x2d: {  	_ =	sfence.sel $0x180000  }
0x2e: {  	[bflag:$0x0] =	sbarrier.arrive $0xFFFF  }
0x2f: {  	p0 =	sne.s32 s1, $0x0;
	_ =	strace $0x90000047  }
0x30: {  	s0 =	sadd.s32 @!p0 $0x100000, s0;
	[bflag:$0x2] =	sbarrier.arrive $0xFFFF  }
0x31: {  	[sflag:s0] =	ssyncadd.tile.s32 @!p0 $0x1;
	_ =	shalt  }
.Lfunc_end2:
_tile_overlayer_lowered:
.L_overlay_start_2:
0x32: {  	(tag) =	ssettag $0x2  }
0x33: {  	s0 =	rddreg [dreg:$0x0];
	s2 =	stileid.u32  }
0x34: {  	s1 =	rddreg [dreg:$0x1];
	p0 =	sne.s32 s2, $0x0  }
0x35: {  	s3 =	rddreg [dreg:$0x2];
	[bflag:$0x3] =	sbarrier.arrive $0xFFFF;
	s2 =	simm.s32 @!p0 $0x1C01  }
0x36: {  	[timem:s3], [sflag:s2] =	dma.local @!p0 [hbm:s0], s1  }
0x37: {  	s0 =	simm.s32 @!p0 $0x1  }
0x38: {  	_ =	swait.ge @!p0 [sflag:s0], s1  }
0x39: {  	s1 =	ssub.s32 @!p0 $0x0, s1;
	[sflag:s0] =	ssyncset.done @!p0 $0x0  }
0x3a: {  	[sflag:s0] =	ssyncadd.s32 @!p0 s1  }
0x3b: {  	[bflag:$0x3] =	sbarrier.arrive $0xFFFF  }
0x3c: {  	_ =	shalt  }

// kernel: kernel.13.cloned.1.call-start
scs
__scs_entry_jumppad:
0x0: {  	(pc) =	sbr.rel $0x88, $3  }
0x1: {  	(tag) =	ssettag $0x0;
	lr =	simm.s32 $0x1  }
0x2: {  	[smem:$0x3F9D] =	sst lr;
	_ =	strace $0xD0000000  }
0x3: {  	_ = 	snop  }
0x4: {  	_ = 	snop  }
0x5: {  	_ = 	snop  }
0x6: {  	_ = 	snop  }
0x7: {  	_ = 	snop  }
__scs_overlays_trampoline_lowered:
0x8: {  	[smem:$0x3FAC] =	sst s0  }
0x9: {  	[smem:$0x3FAD] =	sst s1  }
0xa: {  	[smem:$0x3FAE] =	sst s2  }
0xb: {  	[smem:$0x3FAF] =	sst s3  }
0xc: {  	[smem:$0x3FB0] =	sst s4  }
0xd: {  	[smem:$0x3FB1] =	sst s5  }
0xe: {  	[smem:$0x3FB2] =	sst s6  }
0xf: {  	[smem:$0x3FB3] =	sst s7  }
0x10: {  	[smem:$0x3FB4] =	sst s8  }
0x11: {  	[smem:$0x3FB5] =	sst s9;
	s0 =	simm.s32 @!p0 $0x0  }
0x12: {  	s1 =	sld [smem:$0x3F9B];
	s0 =	simm.s32 @p0 $0x1  }
0x13: {  	[smem:$0x3FB6] =	sst s0;
	s0 =	simm.s32 @!p1 $0x0  }
0x14: {  	s2 =	sld [smem:$0x3F9A];
	s0 =	simm.s32 @p1 $0x1  }
0x15: {  	[smem:$0x3FB7] =	sst s0;
	s0 =	simm.s32 @!p2 $0x0  }
0x16: {  	s3 =	sld [smem:$0x3FDB];
	s0 =	simm.s32 @p2 $0x1  }
0x17: {  	s4 =	simm.s32 $0x1BF5;
	[smem:$0x3FB9] =	sst s0  }
0x18: {  	s0 =	sld [smem:$0x3F9C];
	_ =	swait.ge [sflag:s4], $0x0  }
0x19: {  	s7 =	sld [smem:$0x3F9D]  }
0x1a: {  	s8 =	sadd.s32 $0xFFFFE003, lr  }
0x1b: {  	s9 =	sadd.s32 $0xFFFFFEF7, lr;
	s5 =	simm.s32 $0xFFFFFFFF;
	p2 =	slt.u32 s8, $0xFFFFF086  }
0x1c: {  	p1 =	slt.u32 s9, $0xF7A;
	s5 =	simm.s32 @!p2 $0x0  }
0x1d: {  	s5 =	simm.s32 @p1 $0x1;
	p0 =	seq.s32 s7, s2  }
0x1e: {  	s7 =	smul.u32 @!p0 $0xF7A, s2;
	p2 =	seq.s32 @!p0 s5, $0x0  }
0x1f: {  	s9 =	smul.u32 $0xF7A, s1;
	s8 =	simm.s32 @!p0 $0x1BF5;
	p2 =	por !p2, p0  }
0x20: {  	[sflag:s8] =	ssyncset.s32 @!p0 $0xFFFFF086;
	s6 =	sadd.s32 @!p0 s3, s7;
	s7 =	simm.s32 @!p0 $0x108  }
0x21: {  	s3 =	sadd.s32 s3, s9;
	s6 =	sadd.s32 @!p0 $0x88, s6;
	s7 =	simm.s32 @p2 $0x1082  }
0x22: {  	[simem:s7], [sflag:s8] =	dma.local @!p0 [hbm:s6], $0xF7A  }
0x23: {  	s9 =	sor.u32 $0xD0000000, s2;
	s6 =	simm.s32 $0x108;
	_ =	swait.ge @!p0 [sflag:s8], $0x0  }
0x24: {  	s3 =	sadd.s32 $0x88, s3;
	s6 =	simm.s32 @!p1 $0x1082;
	[sflag:s4] =	ssyncset.s32 $0xFFFFF086  }
0x25: {  	[simem:s6], [sflag:s4] =	dma.local [hbm:s3], $0xF7A  }
0x26: {  	[smem:$0x3F9D] =	sst s1;
	(tag) =	ssettag s2;
	_ =	strace s9  }
0x27: {  	s1 =	sld [smem:$0x3FAD]  }
0x28: {  	s2 =	sld [smem:$0x3FAE]  }
0x29: {  	s4 =	sld [smem:$0x3FB0]  }
0x2a: {  	p0 =	seq.s32 s5, $0x0;
	s5 =	sld [smem:$0x3FB1]  }
0x2b: {  	s6 =	sld [smem:$0x3FB2]  }
0x2c: {  	s7 =	sld [smem:$0x3FB3]  }
0x2d: {  	s3 =	simm.s32 $0x108;
	s8 =	sld [smem:$0x3FB4]  }
0x2e: {  	s3 =	simm.s32 @!p0 $0x1082;
	s9 =	sld [smem:$0x3FB5]  }
0x2f: {  	lr =	sadd.s32 s0, s3;
	s0 =	sld [smem:$0x3FAC]  }
0x30: {  	s3 =	sld [smem:$0x3FAF]  }
0x31: {  	[smem:$0x3FB8] =	sst s10  }
0x32: {  	s10 =	sld [smem:$0x3FB6];
	_ =	sdelay $0x3  }
0x33: {  	p0 =	seq.s32 s10, $0x1;
	s10 =	sld [smem:$0x3FB8];
	_ =	sdelay $0x3  }
0x34: {  	[smem:$0x3FB8] =	sst s10  }
0x35: {  	s10 =	sld [smem:$0x3FB7];
	_ =	sdelay $0x3  }
0x36: {  	p1 =	seq.s32 s10, $0x1;
	s10 =	sld [smem:$0x3FB8];
	_ =	sdelay $0x3  }
0x37: {  	[smem:$0x3FB8] =	sst s10  }
0x38: {  	s10 =	sld [smem:$0x3FB9]  }
0x39: {  	_ = 	snop;
	(pc) =	sbr.ind lr, $3  }
0x3a: {  	_ = 	snop  }
0x3b: {  	_ = 	snop  }
0x3c: {  	p2 =	seq.s32 s10, $0x1;
	s10 =	sld [smem:$0x3FB8]  }
0x3d: {  	_ =	shalt  }
0x3e: {  	_ =	shalt  }
0x3f: {  	_ =	shalt  }
0x40: {  	_ =	shalt  }
0x41: {  	_ =	shalt  }
0x42: {  	_ =	shalt  }
0x43: {  	_ =	shalt  }
0x44: {  	_ =	shalt  }
0x45: {  	_ =	shalt  }
0x46: {  	_ =	shalt  }
0x47: {  	_ =	shalt  }
0x48: {  	_ =	shalt  }
0x49: {  	_ =	shalt  }
0x4a: {  	_ =	shalt  }
0x4b: {  	_ =	shalt  }
0x4c: {  	_ =	shalt  }
0x4d: {  	_ =	shalt  }
0x4e: {  	_ =	shalt  }
0x4f: {  	_ =	shalt  }
0x50: {  	_ =	shalt  }
0x51: {  	_ =	shalt  }
0x52: {  	_ =	shalt  }
0x53: {  	_ =	shalt  }
0x54: {  	_ =	shalt  }
0x55: {  	_ =	shalt  }
0x56: {  	_ =	shalt  }
0x57: {  	_ =	shalt  }
0x58: {  	_ =	shalt  }
0x59: {  	_ =	shalt  }
0x5a: {  	_ =	shalt  }
0x5b: {  	_ =	shalt  }
0x5c: {  	_ =	shalt  }
0x5d: {  	_ =	shalt  }
0x5e: {  	_ =	shalt  }
0x5f: {  	_ =	shalt  }
0x60: {  	_ =	shalt  }
0x61: {  	_ =	shalt  }
0x62: {  	_ =	shalt  }
0x63: {  	_ =	shalt  }
0x64: {  	_ =	shalt  }
0x65: {  	_ =	shalt  }
0x66: {  	_ =	shalt  }
0x67: {  	_ =	shalt  }
0x68: {  	_ =	shalt  }
0x69: {  	_ =	shalt  }
0x6a: {  	_ =	shalt  }
0x6b: {  	_ =	shalt  }
0x6c: {  	_ =	shalt  }
0x6d: {  	_ =	shalt  }
0x6e: {  	_ =	shalt  }
0x6f: {  	_ =	shalt  }
0x70: {  	_ =	shalt  }
0x71: {  	_ =	shalt  }
0x72: {  	_ =	shalt  }
0x73: {  	_ =	shalt  }
0x74: {  	_ =	shalt  }
0x75: {  	_ =	shalt  }
0x76: {  	_ =	shalt  }
0x77: {  	_ =	shalt  }
0x78: {  	_ =	shalt  }
0x79: {  	_ =	shalt  }
0x7a: {  	_ =	shalt  }
0x7b: {  	_ =	shalt  }
0x7c: {  	_ =	shalt  }
0x7d: {  	_ =	shalt  }
0x7e: {  	_ =	shalt  }
0x7f: {  	_ =	shalt  }
0x80: {  	_ =	shalt  }
0x81: {  	_ =	shalt  }
0x82: {  	_ =	shalt  }
0x83: {  	_ =	shalt  }
0x84: {  	_ =	shalt  }
0x85: {  	_ =	shalt  }
0x86: {  	_ =	shalt  }
0x87: {  	_ =	shalt  }
.Lfunc_end0:
.L_simem_size_0:
called_computation.1_lowered:
.L_overlay_start_0:
0x88: {  	s2 =	sld [smem:$0x3FD9]  }
0x89: {  	s3 =	sld [smem:$0x3FFE];
	_ =	sdelay $0x1  }
0x8a: {  	s1 =	srdreg.scid  }
0x8b: {  	s0 =	sand.u32 $0x1, s1  }
0x8c: {  	s14 =	sshll.u32 s0, $0xA;
	s2 =	sadd.s32 s3, s2  }
0x8d: {  	s2 =	sadd.s32 s2, s14  }
0x8e: {  	[smem:$0x3FC4] =	sst s2  }
0x8f: {  	_ = 	snop  }
0x90: {  	s2 =	sld [smem:$0x3FD0];
	_ =	sdelay $0x2  }
0x91: {  	s15 =	simm.s32 $0xA;
	s4 =	simm.s32 $0x10  }
0x92: {  	[smem:s4], [sflag:s15] =	dma.local [hbm:s2], $0x1  }
0x93: {  	_ =	swait.eq [sflag:s15], $0x1  }
0x94: {  	[sflag:s15] =	ssyncset.done $0x0  }
0x95: {  	s16 =	sld [smem:$0x10];
	[sflag:s15] =	ssyncadd.s32 $0xFFFFFFFF  }
0x96: {  	s17 =	sld [smem:$0x11];
	(tm) =	ssettm $0x1  }
0x97: {  	s18 =	sld [smem:$0x3FFB];
	_ =	sdelay $0x3  }
0x98: {  	_ =	strace s18  }
0x99: {  	s4 =	sld [smem:$0x3FFC];
	_ =	sdelay $0x3  }
0x9a: {  	_ =	strace s4  }
0x9b: {  	s4 =	sld [smem:$0x3FFD];
	_ =	sdelay $0x3  }
0x9c: {  	_ =	strace s4  }
0x9d: {  	_ =	strace $0x8FFFFFFF  }
0x9e: {  	s19 =	sld [smem:$0x3FDB];
	_ =	sdelay $0x1  }
0x9f: {  	s5 =	simm.s32 $_scs_section_size  }
0xa0: {  	s6 =	simm.s32 $_size__tile_overlayer_lowered;
	s7 =	simm.s32 $_tile_overlayer_lowered  }
0xa1: {  	s22 =	simm.s32 $0x1BFF;
	s21 =	sshll.u32 s7, $0x1;
	s4 =	sadd.s32 s5, s19  }
0xa2: {  	s8 =	simm.s32 $0x0;
	s20 =	sshll.u32 s6, $0x1;
	s6 =	sadd.s32 s21, s4  }
0xa3: {  	[timem:s8], [sflag:s22] =	dma.local [hbm:s6], s20  }
0xa4: {  	_ =	swait.ge [sflag:s22], s20  }
0xa5: {  	s5 =	ssub.s32 $0x0, s20;
	[sflag:s22] =	ssyncset.done $0x0  }
0xa6: {  	[sflag:s22] =	ssyncadd.s32 s5;
	_ =	sdelay $0x1  }
0xa7: {  	s23 =	simm.s32 $0x1B8B  }
0xa8: {  	_ =	swait.ge [sflag:s23], $0x1  }
0xa9: {  	[sflag:s23] =	ssyncset.done $0x0  }
0xaa: {  	s25 =	simm.s32 $0x1B8E;
	s24 =	sld [smem:$0x3FFE];
	[sflag:s23] =	ssyncadd.s32 $0xFFFFFFFF  }
0xab: {  	s26 =	simm.s32 $execute0_lowered;
	[smem:$0x3FD2] =	sst s25  }
0xac: {  	s6 =	sshll.u32 s26, $0x1;
	_ =	strace $0x80000049;
	[dreg:$0x1] =	wrdreg $0xFFFFFFFF  }
0xad: {  	s28 =	simm.s32 $_size_execute0_lowered;
	s4 =	sadd.s32 s4, s6;
	[dreg:$0x0] =	wrdreg $0x0  }
0xae: {  	s6 =	sshll.u32 s28, $0x1;
	[dreg:$0x2] =	wrdreg s4  }
0xaf: {  	[dreg:$0x3] =	wrdreg s6  }
0xb0: {  	[dreg:$0x4] =	wrdreg $0xC0  }
0xb1: {  	_ =	task [dreg:s8], $0x5FFFF  }
0xb2: {  	[dreg:$0x1] =	wrdreg $0xFFFFFFFF  }
0xb3: {  	[dreg:$0x0] =	wrdreg $0x60  }
0xb4: {  	[dreg:$0x2] =	wrdreg s17  }
0xb5: {  	[dreg:$0x3] =	wrdreg s16  }
0xb6: {  	[dreg:$0x4] =	wrdreg s24  }
0xb7: {  	[dreg:$0x5] =	wrdreg $0xA4000  }
0xb8: {  	[dreg:$0x6] =	wrdreg $0x9  }
0xb9: {  	_ =	task.clear_ibuf [dreg:s8], $0x7FFFF;
	_ =	strace $0x90000049  }
0xba: {  	s29 =	simm.s32 $0x9;
	_ =	strace $0x8000004B  }
0xbb: {  	_ =	swait.ge [sflag:s29], $0x1  }
0xbc: {  	[sflag:s29] =	ssyncadd.s32 $0xFFFFFFFF  }
0xbd: {  	_ =	strace $0x9000004B  }
0xbe: {  	_ =	sfence  }
0xbf: {  	s30 =	sld [smem:$0x0];
	_ =	sdelay $0x2  }
0xc0: {  	s31 =	sshll.u32 s1, $0xD;
	s1 =	sshrl.u32 s1, $0x2  }
0xc1: {  	s3 =	sand.u32 $0x4000, s31;
	s1 =	sadd.s32 s1, s30  }
0xc2: {  	s0 =	sor.u32 s3, s0;
	s1 =	sshll.u32 s1, $0x11  }
0xc3: {  	s0 =	sor.u32 s1, s0  }
0xc4: {  	s0 =	sadd.s32 $0x8F2B, s0  }
0xc5: {  	[sflag:s0] =	ssyncadd.remote.s32 $0x1  }
0xc6: {  	_ =	sfence.sel $0xFFFF  }
0xc7: {  	[dreg:$0x0] =	wrdreg $0xFFFFFFFF;
	(pc) =	sbr.abs _section_cstart, $3  }
0xc8: {  	[dreg:$0x1] =	wrdreg $0xFFFFFFFF  }
0xc9: {  	_ =	task.clear_ibuf [dreg:s8], $0x2FFFF;
	_ =	strace $0x9FFFFFFF  }
0xca: {  	(tm) =	ssettm $0x7FFFFFFF  }
0xcb: {  	_ =	shalt  }
tec
execute0_lowered:
.L_overlay_start_1:
0x0: {  	(tag) =	ssettag $0x1  }
0x1: {  	s0 =	rddreg [dreg:$0x0]  }
0x2: {  	s1 =	rddreg [dreg:$0x1]  }
0x3: {  	s5 =	rddreg [dreg:$0x2]  }
0x4: {  	s2 =	rddreg [dreg:$0x3]  }
0x5: {  	s13 =	stileid.u32;
	s4 =	srdreg.scid;
	s3 =	simm.s32 $0x0  }
0x6: {  	s28 =	simm.s32 $0x5;
	s29 =	simm.s32 $0x2;
	s30 =	simm.s32 $0x6  }
0x7: {  	s31 =	simm.s32 $0x4;
	s6 =	smul.u32 $0x2800, s13;
	s7 =	sand.u32 $0x1, s4  }
0x8: {  	[smem:$0x7FF] =	sst s3;
	s4 =	sadd.s32 $0x2AA00, s5;
	s17 =	smul.u32 $0x50000, s13  }
0x9: {  	s10 =	sshll.u32 s13, $0x1;
	s21 =	smul.u32 $0x5000, s13;
	s22 =	sshll.u32 s13, $0x6  }
0xa: {  	s8 =	smul.u32 $0x28000, s7;
	_ =	strace $0x8000004A;
	s18 =	ssub.s32 $0x2, s7  }
0xb: {  	s19 =	sor.u32 s7, s10;
	s14 =	smul.u32 $0x2800, s7;
	s9 =	sadd.s32 s6, s5  }
0xc: {  	s20 =	sshrl.u32 s18, $0x1;
	s6 =	sadd.s32 s6, s8;
	s8 =	sshrl.u32 s17, $0x2  }
0xd: {  	s12 =	ssub.s32 s18, s20;
	s24 =	sadd.s32 $0x2A00, s9;
	s14 =	sadd.s32 s14, s21  }
0xe: {  	s18 =	simm.s32 $0x7;
	s20 =	simm.s32 $0x200;
	s21 =	simm.s32 $0x300  }
0xf: {  	s11 =	sadd.s32 s6, s5;
	s6 =	smul.u32 $0x2800, s19;
	s17 =	sadd.s32 s8, s2  }
0x10: {  	[dreg:$0x5] =	wrdreg s24;
	s26 =	sor.u32 $0x1E0, s14;
	s14 =	sor.u32 $0x140, s14  }
0x11: {  	s12 =	smax.u32 s12, $0x1;
	s19 =	simm.s32 $0x100;
	s24 =	simm.s32 $0x400  }
0x12: {  	s11 =	sadd.s32 $0x52A00, s11;
	s15 =	sshrl.u32 s26, $0x3;
	s16 =	sshrl.u32 s14, $0x3  }
0x13: {  	s17 =	sshrl.u32 s17, $0x3;
	s26 =	simm.s32 $0x5400;
	s23 =	sshrl.u32 s6, $0x3  }
0x14: {  	s6 =	sor.u32 $0x1C07, s22;
	s14 =	sadd.s32 s15, s1;
	s22 =	simm.s32 $0x1  }
0x15: {  	s25 =	sadd.s32 s1, s23;
	s8 =	sadd.s32 s0, s23;
	s13 =	sor.u32 $0x14, s23  }
0x16: {  	s23 =	simm.s32 $0xA0;
	[dreg:$0x6] =	wrdreg s25;
	s9 =	sadd.s32 s1, s13  }
0x17: {  	s10 =	sadd.s32 s0, s13;
	s13 =	sadd.s32 s15, s0;
	s15 =	sadd.s32 s16, s0  }
0x18: {  	s16 =	sadd.s32 s16, s1;
	s25 =	simm.s32 $0x3;
	s0 =	simm.s32 $0x0  }
.LBB2_1:
0x19: {  	s1 =	rddreg [dreg:$0x5]  }
0x1a: {  	[spmem:s17], [sflag:s6] =	dma.local [hbm:s1], $0x2800  }
0x1b: {  	_ =	swait.ge [sflag:s18], $0x2800  }
0x1c: {  	[sflag:s18] =	ssyncset.done $0x0  }
0x1d: {  	s7 =	rddreg [dreg:$0x6];
	[sflag:s18] =	ssyncadd.s32 $0xFFFFD800  }
0x1e: {  	[tilespmem:s3], [sflag:$0x1] =	stream.linear.gather [hbm4b:s7+s3], $0xA0, $0x38;
	[tilespmem:$0x1E400] =	vst v63  }
0x1f: {  	_ = 	snop  }
0x20: {  	[tilespmem:s19], [sflag:$0x2] =	stream.linear.gather [hbm4b:s8+s3], $0xA0, $0x38;
	[tilespmem:$0x1E400] =	vst v63  }
0x21: {  	_ = 	snop  }
0x22: {  	[tilespmem:s20], [sflag:$0x3] =	stream.linear.gather [hbm4b:s9+s3], $0xA0, $0x38;
	[tilespmem:$0x1E400] =	vst v63  }
0x23: {  	_ = 	snop  }
0x24: {  	[tilespmem:s21], [sflag:$0x4] =	stream.linear.gather [hbm4b:s10+s3], $0xA0, $0x38;
	[tilespmem:$0x1E400] =	vst v63  }
0x25: {  	_ =	swait.ge [sflag:s22], $0xA0  }
0x26: {  	[sflag:s22] =	ssyncset.done $0x0  }
0x27: {  	[sflag:s22] =	ssyncadd.s32 $0xFFFFFF60  }
0x28: {  	[tilespmem:s24], [sflag:$0x5] =	stream.indirect.gather [hbm4b:s4+s23], $0x80, s3, s23, $0xb8;
	[tilespmem:$0x1E400] =	vst v63  }
0x29: {  	_ =	swait.ge [sflag:s25], $0xA0  }
0x2a: {  	[sflag:s25] =	ssyncset.done $0x0  }
0x2b: {  	[sflag:s25] =	ssyncadd.s32 $0xFFFFFF60  }
0x2c: {  	[tilespmem:s26], [sflag:$0x6] =	stream.indirect.gather [hbm4b:s4+s23], $0x80, s20, s23, $0xb8;
	[tilespmem:$0x1E400] =	vst v63  }
0x2d: {  	[bflag:$0x0] =	sbarrier.arrive $0xFFFF  }
0x2e: {  	_ =	swait.ge [sflag:s28], $0x5000  }
0x2f: {  	[sflag:s28] =	ssyncset.done $0x0  }
0x30: {  	[sflag:s28] =	ssyncadd.s32 $0xFFFFB000  }
0x31: {  	_ =	swait.ge [sflag:s29], $0xA0  }
0x32: {  	[sflag:s29] =	ssyncset.done $0x0  }
0x33: {  	[sflag:s29] =	ssyncadd.s32 $0xFFFFFF60  }
0x34: {  	[spmem:s2] =	stream.indirect.scatter.add.f32 [tilespmem:s24], [sflag:$0x7], $0x80, s19, s23, $0xb8;
	[tilespmem:$0x1E400] =	vst v63  }
0x35: {  	_ =	swait.ge [sflag:s18], $0x5000  }
0x36: {  	[sflag:s18] =	ssyncset.done $0x0  }
0x37: {  	s5 =	sadd.s32 $0x0, s16;
	[sflag:s18] =	ssyncadd.s32 $0xFFFFB000  }
0x38: {  	[tilespmem:s3], [sflag:$0x1] =	stream.linear.gather [hbm4b:s5+s3], $0xA0, $0x38;
	[tilespmem:$0x1E400] =	vst v63  }
0x39: {  	s7 =	sadd.s32 $0x0, s15  }
0x3a: {  	[tilespmem:s19], [sflag:$0x2] =	stream.linear.gather [hbm4b:s7+s3], $0xA0, $0x38;
	[tilespmem:$0x1E400] =	vst v63  }
0x3b: {  	_ =	swait.ge [sflag:s22], $0xA0  }
0x3c: {  	[sflag:s22] =	ssyncset.done $0x0  }
0x3d: {  	[sflag:s22] =	ssyncadd.s32 $0xFFFFFF60  }
0x3e: {  	[tilespmem:s24], [sflag:$0x5] =	stream.indirect.gather [hbm4b:s4+s23], $0x80, s3, s23, $0xb8;
	[tilespmem:$0x1E400] =	vst v63  }
0x3f: {  	_ =	swait.ge [sflag:s30], $0x5000  }
0x40: {  	[sflag:s30] =	ssyncset.done $0x0  }
0x41: {  	[sflag:s30] =	ssyncadd.s32 $0xFFFFB000  }
0x42: {  	_ =	swait.ge [sflag:s31], $0xA0  }
0x43: {  	[sflag:s31] =	ssyncset.done $0x0  }
0x44: {  	[sflag:s31] =	ssyncadd.s32 $0xFFFFFF60  }
0x45: {  	[spmem:s2] =	stream.indirect.scatter.add.f32 [tilespmem:s26], [sflag:$0x7], $0x80, s21, s23, $0xb8;
	[tilespmem:$0x1E400] =	vst v63  }
0x46: {  	_ =	swait.ge [sflag:s18], $0x5000  }
0x47: {  	[sflag:s18] =	ssyncset.done $0x0  }
0x48: {  	s5 =	sadd.s32 $0x0, s14;
	[sflag:s18] =	ssyncadd.s32 $0xFFFFB000  }
0x49: {  	[tilespmem:s20], [sflag:$0x3] =	stream.linear.gather [hbm4b:s5+s3], $0xA0, $0x38;
	[tilespmem:$0x1E400] =	vst v63  }
0x4a: {  	s7 =	sadd.s32 $0x0, s13  }
0x4b: {  	[tilespmem:s21], [sflag:$0x4] =	stream.linear.gather [hbm4b:s7+s3], $0xA0, $0x38;
	[tilespmem:$0x1E400] =	vst v63  }
0x4c: {  	_ =	swait.ge [sflag:s25], $0xA0  }
0x4d: {  	[sflag:s25] =	ssyncset.done $0x0  }
0x4e: {  	s1 =	simm.s32 $0x28;
	[sflag:s25] =	ssyncadd.s32 $0xFFFFFF60  }
.LBB2_2:
0x4f: {  	[tilespmem:s26], [sflag:$0x6] =	stream.indirect.gather [hbm4b:s4+s23], $0x80, s20, s23, $0xb8;
	[tilespmem:$0x1E400] =	vst v63  }
0x50: {  	s5 =	smov.u32 s1  }
0x51: {  	p0 =	sne.s32 s1, $0x4B0;
	s1 =	sadd.s32 $0x28, s1;
	_ =	swait.ge [sflag:s28], $0x5000  }
0x52: {  	[sflag:s28] =	ssyncset.done $0x0  }
0x53: {  	[sflag:s28] =	ssyncadd.s32 $0xFFFFB000  }
0x54: {  	_ =	swait.ge [sflag:s29], $0xA0  }
0x55: {  	[sflag:s29] =	ssyncset.done $0x0  }
0x56: {  	[sflag:s29] =	ssyncadd.s32 $0xFFFFFF60  }
0x57: {  	[spmem:s2] =	stream.indirect.scatter.add.f32 [tilespmem:s24], [sflag:$0x7], $0x80, s19, s23, $0xb8;
	[tilespmem:$0x1E400] =	vst v63  }
0x58: {  	_ =	swait.ge [sflag:s18], $0x5000  }
0x59: {  	[sflag:s18] =	ssyncset.done $0x0  }
0x5a: {  	s7 =	sadd.s32 s5, s16;
	[sflag:s18] =	ssyncadd.s32 $0xFFFFB000  }
0x5b: {  	[tilespmem:s3], [sflag:$0x1] =	stream.linear.gather [hbm4b:s7+s3], $0xA0, $0x38;
	[tilespmem:$0x1E400] =	vst v63  }
0x5c: {  	s7 =	sadd.s32 s5, s15  }
0x5d: {  	[tilespmem:s19], [sflag:$0x2] =	stream.linear.gather [hbm4b:s7+s3], $0xA0, $0x38;
	[tilespmem:$0x1E400] =	vst v63  }
0x5e: {  	_ =	swait.ge [sflag:s22], $0xA0  }
0x5f: {  	[sflag:s22] =	ssyncset.done $0x0  }
0x60: {  	[sflag:s22] =	ssyncadd.s32 $0xFFFFFF60  }
0x61: {  	[tilespmem:s24], [sflag:$0x5] =	stream.indirect.gather [hbm4b:s4+s23], $0x80, s3, s23, $0xb8;
	[tilespmem:$0x1E400] =	vst v63  }
0x62: {  	_ =	swait.ge [sflag:s30], $0x5000  }
0x63: {  	[sflag:s30] =	ssyncset.done $0x0  }
0x64: {  	[sflag:s30] =	ssyncadd.s32 $0xFFFFB000  }
0x65: {  	_ =	swait.ge [sflag:s31], $0xA0  }
0x66: {  	[sflag:s31] =	ssyncset.done $0x0  }
0x67: {  	[sflag:s31] =	ssyncadd.s32 $0xFFFFFF60  }
0x68: {  	[spmem:s2] =	stream.indirect.scatter.add.f32 [tilespmem:s26], [sflag:$0x7], $0x80, s21, s23, $0xb8;
	[tilespmem:$0x1E400] =	vst v63  }
0x69: {  	_ =	swait.ge [sflag:s18], $0x5000  }
0x6a: {  	[sflag:s18] =	ssyncset.done $0x0  }
0x6b: {  	s7 =	sadd.s32 s5, s14;
	[sflag:s18] =	ssyncadd.s32 $0xFFFFB000  }
0x6c: {  	[tilespmem:s20], [sflag:$0x3] =	stream.linear.gather [hbm4b:s7+s3], $0xA0, $0x38;
	[tilespmem:$0x1E400] =	vst v63  }
.Ltmp0:
0x6d: {  	s5 =	sadd.s32 s5, s13;
	(pc) =	sbr.rel @p0 .LBB2_2-.Ltmp0, $4  }
0x6e: {  	[tilespmem:s21], [sflag:$0x4] =	stream.linear.gather [hbm4b:s5+s3], $0xA0, $0x38;
	[tilespmem:$0x1E400] =	vst v63  }
0x6f: {  	_ =	swait.ge [sflag:s25], $0xA0  }
0x70: {  	[sflag:s25] =	ssyncset.done $0x0  }
0x71: {  	[sflag:s25] =	ssyncadd.s32 $0xFFFFFF60  }
0x72: {  	[tilespmem:s26], [sflag:$0x6] =	stream.indirect.gather [hbm4b:s4+s23], $0x80, s20, s23, $0xb8;
	[tilespmem:$0x1E400] =	vst v63  }
0x73: {  	_ =	swait.ge [sflag:s28], $0x5000  }
0x74: {  	[sflag:s28] =	ssyncset.done $0x0  }
0x75: {  	[sflag:s28] =	ssyncadd.s32 $0xFFFFB000  }
0x76: {  	_ =	swait.ge [sflag:s29], $0xA0  }
0x77: {  	[sflag:s29] =	ssyncset.done $0x0  }
0x78: {  	[sflag:s29] =	ssyncadd.s32 $0xFFFFFF60  }
0x79: {  	[spmem:s2] =	stream.indirect.scatter.add.f32 [tilespmem:s24], [sflag:$0x7], $0x80, s19, s23, $0xb8;
	[tilespmem:$0x1E400] =	vst v63  }
0x7a: {  	_ =	swait.ge [sflag:s18], $0x5000  }
0x7b: {  	[sflag:s18] =	ssyncset.done $0x0  }
0x7c: {  	[sflag:s18] =	ssyncadd.s32 $0xFFFFB000  }
0x7d: {  	_ =	swait.ge [sflag:s30], $0x5000  }
0x7e: {  	[sflag:s30] =	ssyncset.done $0x0  }
0x7f: {  	[sflag:s30] =	ssyncadd.s32 $0xFFFFB000  }
0x80: {  	_ =	swait.ge [sflag:s31], $0xA0  }
0x81: {  	[sflag:s31] =	ssyncset.done $0x0  }
0x82: {  	[sflag:s31] =	ssyncadd.s32 $0xFFFFFF60  }
0x83: {  	[spmem:s2] =	stream.indirect.scatter.add.f32 [tilespmem:s26], [sflag:$0x7], $0x80, s21, s23, $0xb8;
	[tilespmem:$0x1E400] =	vst v63  }
0x84: {  	_ =	swait.ge [sflag:s18], $0x5000  }
0x85: {  	s0 =	sadd.s32 $0x1, s0;
	[sflag:s18] =	ssyncset.done $0x0  }
0x86: {  	p0 =	sne.s32 s0, s12;
	[sflag:s18] =	ssyncadd.s32 $0xFFFFB000  }
.Ltmp1:
0x87: {  	[bflag:$0x0] =	sbarrier.arrive $0xFFFF;
	(pc) =	sbr.rel @p0 .LBB2_1-.Ltmp1, $4  }
0x88: {  	[hbm:s11], [sflag:s6] =	dma.local [spmem:s17], $0x2800  }
0x89: {  	_ =	swait.ge [sflag:s18], $0x2800  }
0x8a: {  	[sflag:s18] =	ssyncset.done $0x0  }
0x8b: {  	[sflag:s18] =	ssyncadd.s32 $0xFFFFD800  }
0x8c: {  	_ =	sfence.sel $0x180000  }
0x8d: {  	[bflag:$0x0] =	sbarrier.arrive $0xFFFF  }
0x8e: {  	_ =	strace $0x9000004A  }
0x8f: {  	s0 =	stileid.u32;
	[bflag:$0x2] =	sbarrier.arrive $0xFFFF  }
0x90: {  	p0 =	sne.s32 s0, $0x0;
	s0 =	rddreg [dreg:$0x4]  }
0x91: {  	s0 =	sadd.s32 @!p0 $0x100000, s0  }
0x92: {  	[sflag:s0] =	ssyncadd.tile.s32 @!p0 $0x1;
	_ =	shalt  }
.Lfunc_end2:
_tile_overlayer_lowered:
.L_overlay_start_2:
0x93: {  	(tag) =	ssettag $0x2  }
0x94: {  	s0 =	rddreg [dreg:$0x0];
	s2 =	stileid.u32  }
0x95: {  	s1 =	rddreg [dreg:$0x1];
	p0 =	sne.s32 s2, $0x0  }
0x96: {  	s3 =	rddreg [dreg:$0x2];
	[bflag:$0x3] =	sbarrier.arrive $0xFFFF;
	s2 =	simm.s32 @!p0 $0x1C07  }
0x97: {  	[timem:s3], [sflag:s2] =	dma.local @!p0 [hbm:s0], s1  }
0x98: {  	s0 =	simm.s32 @!p0 $0x7  }
0x99: {  	_ =	swait.ge @!p0 [sflag:s0], s1  }
0x9a: {  	s1 =	ssub.s32 @!p0 $0x0, s1;
	[sflag:s0] =	ssyncset.done @!p0 $0x0  }
0x9b: {  	[sflag:s0] =	ssyncadd.s32 @!p0 s1  }
0x9c: {  	[bflag:$0x3] =	sbarrier.arrive $0xFFFF  }
0x9d: {  	_ =	shalt  }

// kernel: kernel.16.cloned.1.call-start
scs
__scs_entry_jumppad:
0x0: {  	(pc) =	sbr.rel $0x88, $3  }
0x1: {  	(tag) =	ssettag $0x0;
	lr =	simm.s32 $0x1  }
0x2: {  	[smem:$0x3F9D] =	sst lr;
	_ =	strace $0xD0000000  }
0x3: {  	_ = 	snop  }
0x4: {  	_ = 	snop  }
0x5: {  	_ = 	snop  }
0x6: {  	_ = 	snop  }
0x7: {  	_ = 	snop  }
__scs_overlays_trampoline_lowered:
0x8: {  	[smem:$0x3FAC] =	sst s0  }
0x9: {  	[smem:$0x3FAD] =	sst s1  }
0xa: {  	[smem:$0x3FAE] =	sst s2  }
0xb: {  	[smem:$0x3FAF] =	sst s3  }
0xc: {  	[smem:$0x3FB0] =	sst s4  }
0xd: {  	[smem:$0x3FB1] =	sst s5  }
0xe: {  	[smem:$0x3FB2] =	sst s6  }
0xf: {  	[smem:$0x3FB3] =	sst s7  }
0x10: {  	[smem:$0x3FB4] =	sst s8  }
0x11: {  	[smem:$0x3FB5] =	sst s9;
	s0 =	simm.s32 @!p0 $0x0  }
0x12: {  	s1 =	sld [smem:$0x3F9B];
	s0 =	simm.s32 @p0 $0x1  }
0x13: {  	[smem:$0x3FB6] =	sst s0;
	s0 =	simm.s32 @!p1 $0x0  }
0x14: {  	s2 =	sld [smem:$0x3F9A];
	s0 =	simm.s32 @p1 $0x1  }
0x15: {  	[smem:$0x3FB7] =	sst s0;
	s0 =	simm.s32 @!p2 $0x0  }
0x16: {  	s3 =	sld [smem:$0x3FDB];
	s0 =	simm.s32 @p2 $0x1  }
0x17: {  	s4 =	simm.s32 $0x1BF5;
	[smem:$0x3FB9] =	sst s0  }
0x18: {  	s0 =	sld [smem:$0x3F9C];
	_ =	swait.ge [sflag:s4], $0x0  }
0x19: {  	s7 =	sld [smem:$0x3F9D]  }
0x1a: {  	s8 =	sadd.s32 $0xFFFFE003, lr  }
0x1b: {  	s9 =	sadd.s32 $0xFFFFFEF7, lr;
	s5 =	simm.s32 $0xFFFFFFFF;
	p2 =	slt.u32 s8, $0xFFFFF086  }
0x1c: {  	p1 =	slt.u32 s9, $0xF7A;
	s5 =	simm.s32 @!p2 $0x0  }
0x1d: {  	s5 =	simm.s32 @p1 $0x1;
	p0 =	seq.s32 s7, s2  }
0x1e: {  	s7 =	smul.u32 @!p0 $0xF7A, s2;
	p2 =	seq.s32 @!p0 s5, $0x0  }
0x1f: {  	s9 =	smul.u32 $0xF7A, s1;
	s8 =	simm.s32 @!p0 $0x1BF5;
	p2 =	por !p2, p0  }
0x20: {  	[sflag:s8] =	ssyncset.s32 @!p0 $0xFFFFF086;
	s6 =	sadd.s32 @!p0 s3, s7;
	s7 =	simm.s32 @!p0 $0x108  }
0x21: {  	s3 =	sadd.s32 s3, s9;
	s6 =	sadd.s32 @!p0 $0x88, s6;
	s7 =	simm.s32 @p2 $0x1082  }
0x22: {  	[simem:s7], [sflag:s8] =	dma.local @!p0 [hbm:s6], $0xF7A  }
0x23: {  	s9 =	sor.u32 $0xD0000000, s2;
	s6 =	simm.s32 $0x108;
	_ =	swait.ge @!p0 [sflag:s8], $0x0  }
0x24: {  	s3 =	sadd.s32 $0x88, s3;
	s6 =	simm.s32 @!p1 $0x1082;
	[sflag:s4] =	ssyncset.s32 $0xFFFFF086  }
0x25: {  	[simem:s6], [sflag:s4] =	dma.local [hbm:s3], $0xF7A  }
0x26: {  	[smem:$0x3F9D] =	sst s1;
	(tag) =	ssettag s2;
	_ =	strace s9  }
0x27: {  	s1 =	sld [smem:$0x3FAD]  }
0x28: {  	s2 =	sld [smem:$0x3FAE]  }
0x29: {  	s4 =	sld [smem:$0x3FB0]  }
0x2a: {  	p0 =	seq.s32 s5, $0x0;
	s5 =	sld [smem:$0x3FB1]  }
0x2b: {  	s6 =	sld [smem:$0x3FB2]  }
0x2c: {  	s7 =	sld [smem:$0x3FB3]  }
0x2d: {  	s3 =	simm.s32 $0x108;
	s8 =	sld [smem:$0x3FB4]  }
0x2e: {  	s3 =	simm.s32 @!p0 $0x1082;
	s9 =	sld [smem:$0x3FB5]  }
0x2f: {  	lr =	sadd.s32 s0, s3;
	s0 =	sld [smem:$0x3FAC]  }
0x30: {  	s3 =	sld [smem:$0x3FAF]  }
0x31: {  	[smem:$0x3FB8] =	sst s10  }
0x32: {  	s10 =	sld [smem:$0x3FB6];
	_ =	sdelay $0x3  }
0x33: {  	p0 =	seq.s32 s10, $0x1;
	s10 =	sld [smem:$0x3FB8];
	_ =	sdelay $0x3  }
0x34: {  	[smem:$0x3FB8] =	sst s10  }
0x35: {  	s10 =	sld [smem:$0x3FB7];
	_ =	sdelay $0x3  }
0x36: {  	p1 =	seq.s32 s10, $0x1;
	s10 =	sld [smem:$0x3FB8];
	_ =	sdelay $0x3  }
0x37: {  	[smem:$0x3FB8] =	sst s10  }
0x38: {  	s10 =	sld [smem:$0x3FB9]  }
0x39: {  	_ = 	snop;
	(pc) =	sbr.ind lr, $3  }
0x3a: {  	_ = 	snop  }
0x3b: {  	_ = 	snop  }
0x3c: {  	p2 =	seq.s32 s10, $0x1;
	s10 =	sld [smem:$0x3FB8]  }
0x3d: {  	_ =	shalt  }
0x3e: {  	_ =	shalt  }
0x3f: {  	_ =	shalt  }
0x40: {  	_ =	shalt  }
0x41: {  	_ =	shalt  }
0x42: {  	_ =	shalt  }
0x43: {  	_ =	shalt  }
0x44: {  	_ =	shalt  }
0x45: {  	_ =	shalt  }
0x46: {  	_ =	shalt  }
0x47: {  	_ =	shalt  }
0x48: {  	_ =	shalt  }
0x49: {  	_ =	shalt  }
0x4a: {  	_ =	shalt  }
0x4b: {  	_ =	shalt  }
0x4c: {  	_ =	shalt  }
0x4d: {  	_ =	shalt  }
0x4e: {  	_ =	shalt  }
0x4f: {  	_ =	shalt  }
0x50: {  	_ =	shalt  }
0x51: {  	_ =	shalt  }
0x52: {  	_ =	shalt  }
0x53: {  	_ =	shalt  }
0x54: {  	_ =	shalt  }
0x55: {  	_ =	shalt  }
0x56: {  	_ =	shalt  }
0x57: {  	_ =	shalt  }
0x58: {  	_ =	shalt  }
0x59: {  	_ =	shalt  }
0x5a: {  	_ =	shalt  }
0x5b: {  	_ =	shalt  }
0x5c: {  	_ =	shalt  }
0x5d: {  	_ =	shalt  }
0x5e: {  	_ =	shalt  }
0x5f: {  	_ =	shalt  }
0x60: {  	_ =	shalt  }
0x61: {  	_ =	shalt  }
0x62: {  	_ =	shalt  }
0x63: {  	_ =	shalt  }
0x64: {  	_ =	shalt  }
0x65: {  	_ =	shalt  }
0x66: {  	_ =	shalt  }
0x67: {  	_ =	shalt  }
0x68: {  	_ =	shalt  }
0x69: {  	_ =	shalt  }
0x6a: {  	_ =	shalt  }
0x6b: {  	_ =	shalt  }
0x6c: {  	_ =	shalt  }
0x6d: {  	_ =	shalt  }
0x6e: {  	_ =	shalt  }
0x6f: {  	_ =	shalt  }
0x70: {  	_ =	shalt  }
0x71: {  	_ =	shalt  }
0x72: {  	_ =	shalt  }
0x73: {  	_ =	shalt  }
0x74: {  	_ =	shalt  }
0x75: {  	_ =	shalt  }
0x76: {  	_ =	shalt  }
0x77: {  	_ =	shalt  }
0x78: {  	_ =	shalt  }
0x79: {  	_ =	shalt  }
0x7a: {  	_ =	shalt  }
0x7b: {  	_ =	shalt  }
0x7c: {  	_ =	shalt  }
0x7d: {  	_ =	shalt  }
0x7e: {  	_ =	shalt  }
0x7f: {  	_ =	shalt  }
0x80: {  	_ =	shalt  }
0x81: {  	_ =	shalt  }
0x82: {  	_ =	shalt  }
0x83: {  	_ =	shalt  }
0x84: {  	_ =	shalt  }
0x85: {  	_ =	shalt  }
0x86: {  	_ =	shalt  }
0x87: {  	_ =	shalt  }
.Lfunc_end0:
.L_simem_size_0:
called_computation.2_lowered:
.L_overlay_start_0:
0x88: {  	s2 =	sld [smem:$0x3FD9]  }
0x89: {  	s3 =	sld [smem:$0x3FFE];
	_ =	sdelay $0x1  }
0x8a: {  	s1 =	srdreg.scid  }
0x8b: {  	s0 =	sand.u32 $0x1, s1  }
0x8c: {  	s14 =	sshll.u32 s0, $0xA;
	s2 =	sadd.s32 s3, s2  }
0x8d: {  	s2 =	sadd.s32 s2, s14  }
0x8e: {  	[smem:$0x3FC4] =	sst s2  }
0x8f: {  	_ = 	snop  }
0x90: {  	s2 =	sld [smem:$0x3FD0];
	_ =	sdelay $0x2  }
0x91: {  	s15 =	simm.s32 $0xA;
	s4 =	simm.s32 $0x10  }
0x92: {  	[smem:s4], [sflag:s15] =	dma.local [hbm:s2], $0x1  }
0x93: {  	_ =	swait.eq [sflag:s15], $0x1  }
0x94: {  	[sflag:s15] =	ssyncset.done $0x0  }
0x95: {  	s16 =	sld [smem:$0x10];
	[sflag:s15] =	ssyncadd.s32 $0xFFFFFFFF  }
0x96: {  	s17 =	sld [smem:$0x11];
	(tm) =	ssettm $0x1  }
0x97: {  	s18 =	sld [smem:$0x3FFB];
	_ =	sdelay $0x3  }
0x98: {  	_ =	strace s18  }
0x99: {  	s4 =	sld [smem:$0x3FFC];
	_ =	sdelay $0x3  }
0x9a: {  	_ =	strace s4  }
0x9b: {  	s4 =	sld [smem:$0x3FFD];
	_ =	sdelay $0x3  }
0x9c: {  	_ =	strace s4  }
0x9d: {  	_ =	strace $0x8FFFFFFF  }
0x9e: {  	s19 =	sld [smem:$0x3FDB];
	_ =	sdelay $0x1  }
0x9f: {  	s5 =	simm.s32 $_scs_section_size  }
0xa0: {  	s6 =	simm.s32 $_size__tile_overlayer_lowered;
	s7 =	simm.s32 $_tile_overlayer_lowered  }
0xa1: {  	s22 =	simm.s32 $0x1BFF;
	s21 =	sshll.u32 s7, $0x1;
	s4 =	sadd.s32 s5, s19  }
0xa2: {  	s8 =	simm.s32 $0x0;
	s20 =	sshll.u32 s6, $0x1;
	s6 =	sadd.s32 s21, s4  }
0xa3: {  	[timem:s8], [sflag:s22] =	dma.local [hbm:s6], s20  }
0xa4: {  	_ =	swait.ge [sflag:s22], s20  }
0xa5: {  	s5 =	ssub.s32 $0x0, s20;
	[sflag:s22] =	ssyncset.done $0x0  }
0xa6: {  	[sflag:s22] =	ssyncadd.s32 s5;
	_ =	sdelay $0x1  }
0xa7: {  	s23 =	simm.s32 $0x1B8B  }
0xa8: {  	_ =	swait.ge [sflag:s23], $0x1  }
0xa9: {  	[sflag:s23] =	ssyncset.done $0x0  }
0xaa: {  	s25 =	simm.s32 $0x1B8E;
	s24 =	sld [smem:$0x3FFE];
	[sflag:s23] =	ssyncadd.s32 $0xFFFFFFFF  }
0xab: {  	s26 =	simm.s32 $execute0_lowered;
	[smem:$0x3FD2] =	sst s25  }
0xac: {  	s6 =	sshll.u32 s26, $0x1;
	_ =	strace $0x8000004C;
	[dreg:$0x1] =	wrdreg $0xFFFFFFFF  }
0xad: {  	s28 =	simm.s32 $_size_execute0_lowered;
	s4 =	sadd.s32 s4, s6;
	[dreg:$0x0] =	wrdreg $0x0  }
0xae: {  	s6 =	sshll.u32 s28, $0x1;
	[dreg:$0x2] =	wrdreg s4  }
0xaf: {  	[dreg:$0x3] =	wrdreg s6  }
0xb0: {  	[dreg:$0x4] =	wrdreg $0xC0  }
0xb1: {  	_ =	task [dreg:s8], $0x5FFFF  }
0xb2: {  	[dreg:$0x1] =	wrdreg $0xFFFFFFFF  }
0xb3: {  	[dreg:$0x0] =	wrdreg $0x60  }
0xb4: {  	[dreg:$0x2] =	wrdreg s17  }
0xb5: {  	[dreg:$0x3] =	wrdreg s16  }
0xb6: {  	[dreg:$0x4] =	wrdreg s24  }
0xb7: {  	[dreg:$0x5] =	wrdreg $0xA4000  }
0xb8: {  	[dreg:$0x6] =	wrdreg $0x9  }
0xb9: {  	_ =	task.clear_ibuf [dreg:s8], $0x7FFFF;
	_ =	strace $0x9000004C  }
0xba: {  	s29 =	simm.s32 $0x9;
	_ =	strace $0x8000004E  }
0xbb: {  	_ =	swait.ge [sflag:s29], $0x1  }
0xbc: {  	[sflag:s29] =	ssyncadd.s32 $0xFFFFFFFF  }
0xbd: {  	_ =	strace $0x9000004E  }
0xbe: {  	_ =	sfence  }
0xbf: {  	s30 =	sld [smem:$0x0];
	_ =	sdelay $0x2  }
0xc0: {  	s31 =	sshll.u32 s1, $0xD;
	s1 =	sshrl.u32 s1, $0x2  }
0xc1: {  	s3 =	sand.u32 $0x4000, s31;
	s1 =	sadd.s32 s1, s30  }
0xc2: {  	s0 =	sor.u32 s3, s0;
	s1 =	sshll.u32 s1, $0x11  }
0xc3: {  	s0 =	sor.u32 s1, s0  }
0xc4: {  	s0 =	sadd.s32 $0x8F2B, s0  }
0xc5: {  	[sflag:s0] =	ssyncadd.remote.s32 $0x1  }
0xc6: {  	_ =	sfence.sel $0xFFFF  }
0xc7: {  	[dreg:$0x0] =	wrdreg $0xFFFFFFFF;
	(pc) =	sbr.abs _section_cstart, $3  }
0xc8: {  	[dreg:$0x1] =	wrdreg $0xFFFFFFFF  }
0xc9: {  	_ =	task.clear_ibuf [dreg:s8], $0x2FFFF;
	_ =	strace $0x9FFFFFFF  }
0xca: {  	(tm) =	ssettm $0x7FFFFFFF  }
0xcb: {  	_ =	shalt  }
tec
execute0_lowered:
.L_overlay_start_1:
0x0: {  	(tag) =	ssettag $0x1  }
0x1: {  	s0 =	rddreg [dreg:$0x0]  }
0x2: {  	s1 =	rddreg [dreg:$0x1]  }
0x3: {  	s5 =	rddreg [dreg:$0x2]  }
0x4: {  	s2 =	rddreg [dreg:$0x3]  }
0x5: {  	s13 =	stileid.u32;
	s4 =	srdreg.scid;
	s3 =	simm.s32 $0x0  }
0x6: {  	s28 =	simm.s32 $0x5;
	s29 =	simm.s32 $0x2;
	s30 =	simm.s32 $0x6  }
0x7: {  	s31 =	simm.s32 $0x4;
	s6 =	smul.u32 $0x2800, s13;
	s7 =	sand.u32 $0x1, s4  }
0x8: {  	[smem:$0x7FF] =	sst s3;
	s4 =	sadd.s32 $0x2AA00, s5;
	s17 =	smul.u32 $0x50000, s13  }
0x9: {  	s10 =	sshll.u32 s13, $0x1;
	s21 =	smul.u32 $0x5000, s13;
	s22 =	sshll.u32 s13, $0x6  }
0xa: {  	s8 =	smul.u32 $0x28000, s7;
	_ =	strace $0x8000004D;
	s18 =	ssub.s32 $0x2, s7  }
0xb: {  	s19 =	sor.u32 s7, s10;
	s14 =	smul.u32 $0x2800, s7;
	s9 =	sadd.s32 s6, s5  }
0xc: {  	s20 =	sshrl.u32 s18, $0x1;
	s6 =	sadd.s32 s6, s8;
	s8 =	sshrl.u32 s17, $0x2  }
0xd: {  	s12 =	ssub.s32 s18, s20;
	s24 =	sadd.s32 $0x2A00, s9;
	s14 =	sadd.s32 s14, s21  }
0xe: {  	s18 =	simm.s32 $0x7;
	s20 =	simm.s32 $0x200;
	s21 =	simm.s32 $0x300  }
0xf: {  	s11 =	sadd.s32 s6, s5;
	s6 =	smul.u32 $0x2800, s19;
	s17 =	sadd.s32 s8, s2  }
0x10: {  	[dreg:$0x5] =	wrdreg s24;
	s26 =	sor.u32 $0x1E0, s14;
	s14 =	sor.u32 $0x140, s14  }
0x11: {  	s12 =	smax.u32 s12, $0x1;
	s19 =	simm.s32 $0x100;
	s24 =	simm.s32 $0x400  }
0x12: {  	s11 =	sadd.s32 $0x52A00, s11;
	s15 =	sshrl.u32 s26, $0x3;
	s16 =	sshrl.u32 s14, $0x3  }
0x13: {  	s17 =	sshrl.u32 s17, $0x3;
	s26 =	simm.s32 $0x5400;
	s23 =	sshrl.u32 s6, $0x3  }
0x14: {  	s6 =	sor.u32 $0x1C07, s22;
	s14 =	sadd.s32 s15, s1;
	s22 =	simm.s32 $0x1  }
0x15: {  	s25 =	sadd.s32 s1, s23;
	s8 =	sadd.s32 s0, s23;
	s13 =	sor.u32 $0x14, s23  }
0x16: {  	s23 =	simm.s32 $0xA0;
	[dreg:$0x6] =	wrdreg s25;
	s9 =	sadd.s32 s1, s13  }
0x17: {  	s10 =	sadd.s32 s0, s13;
	s13 =	sadd.s32 s15, s0;
	s15 =	sadd.s32 s16, s0  }
0x18: {  	s16 =	sadd.s32 s16, s1;
	s25 =	simm.s32 $0x3;
	s0 =	simm.s32 $0x0  }
.LBB2_1:
0x19: {  	s1 =	rddreg [dreg:$0x5]  }
0x1a: {  	[spmem:s17], [sflag:s6] =	dma.local [hbm:s1], $0x2800  }
0x1b: {  	_ =	swait.ge [sflag:s18], $0x2800  }
0x1c: {  	[sflag:s18] =	ssyncset.done $0x0  }
0x1d: {  	s7 =	rddreg [dreg:$0x6];
	[sflag:s18] =	ssyncadd.s32 $0xFFFFD800  }
0x1e: {  	[tilespmem:s3], [sflag:$0x1] =	stream.linear.gather [hbm4b:s7+s3], $0xA0, $0x38;
	[tilespmem:$0x1E400] =	vst v63  }
0x1f: {  	_ = 	snop  }
0x20: {  	[tilespmem:s19], [sflag:$0x2] =	stream.linear.gather [hbm4b:s8+s3], $0xA0, $0x38;
	[tilespmem:$0x1E400] =	vst v63  }
0x21: {  	_ = 	snop  }
0x22: {  	[tilespmem:s20], [sflag:$0x3] =	stream.linear.gather [hbm4b:s9+s3], $0xA0, $0x38;
	[tilespmem:$0x1E400] =	vst v63  }
0x23: {  	_ = 	snop  }
0x24: {  	[tilespmem:s21], [sflag:$0x4] =	stream.linear.gather [hbm4b:s10+s3], $0xA0, $0x38;
	[tilespmem:$0x1E400] =	vst v63  }
0x25: {  	_ =	swait.ge [sflag:s22], $0xA0  }
0x26: {  	[sflag:s22] =	ssyncset.done $0x0  }
0x27: {  	[sflag:s22] =	ssyncadd.s32 $0xFFFFFF60  }
0x28: {  	[tilespmem:s24], [sflag:$0x5] =	stream.indirect.gather [hbm4b:s4+s23], $0x80, s3, s23, $0xb8;
	[tilespmem:$0x1E400] =	vst v63  }
0x29: {  	_ =	swait.ge [sflag:s25], $0xA0  }
0x2a: {  	[sflag:s25] =	ssyncset.done $0x0  }
0x2b: {  	[sflag:s25] =	ssyncadd.s32 $0xFFFFFF60  }
0x2c: {  	[tilespmem:s26], [sflag:$0x6] =	stream.indirect.gather [hbm4b:s4+s23], $0x80, s20, s23, $0xb8;
	[tilespmem:$0x1E400] =	vst v63  }
0x2d: {  	[bflag:$0x0] =	sbarrier.arrive $0xFFFF  }
0x2e: {  	_ =	swait.ge [sflag:s28], $0x5000  }
0x2f: {  	[sflag:s28] =	ssyncset.done $0x0  }
0x30: {  	[sflag:s28] =	ssyncadd.s32 $0xFFFFB000  }
0x31: {  	_ =	swait.ge [sflag:s29], $0xA0  }
0x32: {  	[sflag:s29] =	ssyncset.done $0x0  }
0x33: {  	[sflag:s29] =	ssyncadd.s32 $0xFFFFFF60  }
0x34: {  	[spmem:s2] =	stream.indirect.scatter.add.f32 [tilespmem:s24], [sflag:$0x7], $0x80, s19, s23, $0xb8;
	[tilespmem:$0x1E400] =	vst v63  }
0x35: {  	_ =	swait.ge [sflag:s18], $0x5000  }
0x36: {  	[sflag:s18] =	ssyncset.done $0x0  }
0x37: {  	s5 =	sadd.s32 $0x0, s16;
	[sflag:s18] =	ssyncadd.s32 $0xFFFFB000  }
0x38: {  	[tilespmem:s3], [sflag:$0x1] =	stream.linear.gather [hbm4b:s5+s3], $0xA0, $0x38;
	[tilespmem:$0x1E400] =	vst v63  }
0x39: {  	s7 =	sadd.s32 $0x0, s15  }
0x3a: {  	[tilespmem:s19], [sflag:$0x2] =	stream.linear.gather [hbm4b:s7+s3], $0xA0, $0x38;
	[tilespmem:$0x1E400] =	vst v63  }
0x3b: {  	_ =	swait.ge [sflag:s22], $0xA0  }
0x3c: {  	[sflag:s22] =	ssyncset.done $0x0  }
0x3d: {  	[sflag:s22] =	ssyncadd.s32 $0xFFFFFF60  }
0x3e: {  	[tilespmem:s24], [sflag:$0x5] =	stream.indirect.gather [hbm4b:s4+s23], $0x80, s3, s23, $0xb8;
	[tilespmem:$0x1E400] =	vst v63  }
0x3f: {  	_ =	swait.ge [sflag:s30], $0x5000  }
0x40: {  	[sflag:s30] =	ssyncset.done $0x0  }
0x41: {  	[sflag:s30] =	ssyncadd.s32 $0xFFFFB000  }
0x42: {  	_ =	swait.ge [sflag:s31], $0xA0  }
0x43: {  	[sflag:s31] =	ssyncset.done $0x0  }
0x44: {  	[sflag:s31] =	ssyncadd.s32 $0xFFFFFF60  }
0x45: {  	[spmem:s2] =	stream.indirect.scatter.add.f32 [tilespmem:s26], [sflag:$0x7], $0x80, s21, s23, $0xb8;
	[tilespmem:$0x1E400] =	vst v63  }
0x46: {  	_ =	swait.ge [sflag:s18], $0x5000  }
0x47: {  	[sflag:s18] =	ssyncset.done $0x0  }
0x48: {  	s5 =	sadd.s32 $0x0, s14;
	[sflag:s18] =	ssyncadd.s32 $0xFFFFB000  }
0x49: {  	[tilespmem:s20], [sflag:$0x3] =	stream.linear.gather [hbm4b:s5+s3], $0xA0, $0x38;
	[tilespmem:$0x1E400] =	vst v63  }
0x4a: {  	s7 =	sadd.s32 $0x0, s13  }
0x4b: {  	[tilespmem:s21], [sflag:$0x4] =	stream.linear.gather [hbm4b:s7+s3], $0xA0, $0x38;
	[tilespmem:$0x1E400] =	vst v63  }
0x4c: {  	_ =	swait.ge [sflag:s25], $0xA0  }
0x4d: {  	[sflag:s25] =	ssyncset.done $0x0  }
0x4e: {  	s1 =	simm.s32 $0x28;
	[sflag:s25] =	ssyncadd.s32 $0xFFFFFF60  }
.LBB2_2:
0x4f: {  	[tilespmem:s26], [sflag:$0x6] =	stream.indirect.gather [hbm4b:s4+s23], $0x80, s20, s23, $0xb8;
	[tilespmem:$0x1E400] =	vst v63  }
0x50: {  	s5 =	smov.u32 s1  }
0x51: {  	p0 =	sne.s32 s1, $0x4B0;
	s1 =	sadd.s32 $0x28, s1;
	_ =	swait.ge [sflag:s28], $0x5000  }
0x52: {  	[sflag:s28] =	ssyncset.done $0x0  }
0x53: {  	[sflag:s28] =	ssyncadd.s32 $0xFFFFB000  }
0x54: {  	_ =	swait.ge [sflag:s29], $0xA0  }
0x55: {  	[sflag:s29] =	ssyncset.done $0x0  }
0x56: {  	[sflag:s29] =	ssyncadd.s32 $0xFFFFFF60  }
0x57: {  	[spmem:s2] =	stream.indirect.scatter.add.f32 [tilespmem:s24], [sflag:$0x7], $0x80, s19, s23, $0xb8;
	[tilespmem:$0x1E400] =	vst v63  }
0x58: {  	_ =	swait.ge [sflag:s18], $0x5000  }
0x59: {  	[sflag:s18] =	ssyncset.done $0x0  }
0x5a: {  	s7 =	sadd.s32 s5, s16;
	[sflag:s18] =	ssyncadd.s32 $0xFFFFB000  }
0x5b: {  	[tilespmem:s3], [sflag:$0x1] =	stream.linear.gather [hbm4b:s7+s3], $0xA0, $0x38;
	[tilespmem:$0x1E400] =	vst v63  }
0x5c: {  	s7 =	sadd.s32 s5, s15  }
0x5d: {  	[tilespmem:s19], [sflag:$0x2] =	stream.linear.gather [hbm4b:s7+s3], $0xA0, $0x38;
	[tilespmem:$0x1E400] =	vst v63  }
0x5e: {  	_ =	swait.ge [sflag:s22], $0xA0  }
0x5f: {  	[sflag:s22] =	ssyncset.done $0x0  }
0x60: {  	[sflag:s22] =	ssyncadd.s32 $0xFFFFFF60  }
0x61: {  	[tilespmem:s24], [sflag:$0x5] =	stream.indirect.gather [hbm4b:s4+s23], $0x80, s3, s23, $0xb8;
	[tilespmem:$0x1E400] =	vst v63  }
0x62: {  	_ =	swait.ge [sflag:s30], $0x5000  }
0x63: {  	[sflag:s30] =	ssyncset.done $0x0  }
0x64: {  	[sflag:s30] =	ssyncadd.s32 $0xFFFFB000  }
0x65: {  	_ =	swait.ge [sflag:s31], $0xA0  }
0x66: {  	[sflag:s31] =	ssyncset.done $0x0  }
0x67: {  	[sflag:s31] =	ssyncadd.s32 $0xFFFFFF60  }
0x68: {  	[spmem:s2] =	stream.indirect.scatter.add.f32 [tilespmem:s26], [sflag:$0x7], $0x80, s21, s23, $0xb8;
	[tilespmem:$0x1E400] =	vst v63  }
0x69: {  	_ =	swait.ge [sflag:s18], $0x5000  }
0x6a: {  	[sflag:s18] =	ssyncset.done $0x0  }
0x6b: {  	s7 =	sadd.s32 s5, s14;
	[sflag:s18] =	ssyncadd.s32 $0xFFFFB000  }
0x6c: {  	[tilespmem:s20], [sflag:$0x3] =	stream.linear.gather [hbm4b:s7+s3], $0xA0, $0x38;
	[tilespmem:$0x1E400] =	vst v63  }
.Ltmp0:
0x6d: {  	s5 =	sadd.s32 s5, s13;
	(pc) =	sbr.rel @p0 .LBB2_2-.Ltmp0, $4  }
0x6e: {  	[tilespmem:s21], [sflag:$0x4] =	stream.linear.gather [hbm4b:s5+s3], $0xA0, $0x38;
	[tilespmem:$0x1E400] =	vst v63  }
0x6f: {  	_ =	swait.ge [sflag:s25], $0xA0  }
0x70: {  	[sflag:s25] =	ssyncset.done $0x0  }
0x71: {  	[sflag:s25] =	ssyncadd.s32 $0xFFFFFF60  }
0x72: {  	[tilespmem:s26], [sflag:$0x6] =	stream.indirect.gather [hbm4b:s4+s23], $0x80, s20, s23, $0xb8;
	[tilespmem:$0x1E400] =	vst v63  }
0x73: {  	_ =	swait.ge [sflag:s28], $0x5000  }
0x74: {  	[sflag:s28] =	ssyncset.done $0x0  }
0x75: {  	[sflag:s28] =	ssyncadd.s32 $0xFFFFB000  }
0x76: {  	_ =	swait.ge [sflag:s29], $0xA0  }
0x77: {  	[sflag:s29] =	ssyncset.done $0x0  }
0x78: {  	[sflag:s29] =	ssyncadd.s32 $0xFFFFFF60  }
0x79: {  	[spmem:s2] =	stream.indirect.scatter.add.f32 [tilespmem:s24], [sflag:$0x7], $0x80, s19, s23, $0xb8;
	[tilespmem:$0x1E400] =	vst v63  }
0x7a: {  	_ =	swait.ge [sflag:s18], $0x5000  }
0x7b: {  	[sflag:s18] =	ssyncset.done $0x0  }
0x7c: {  	[sflag:s18] =	ssyncadd.s32 $0xFFFFB000  }
0x7d: {  	_ =	swait.ge [sflag:s30], $0x5000  }
0x7e: {  	[sflag:s30] =	ssyncset.done $0x0  }
0x7f: {  	[sflag:s30] =	ssyncadd.s32 $0xFFFFB000  }
0x80: {  	_ =	swait.ge [sflag:s31], $0xA0  }
0x81: {  	[sflag:s31] =	ssyncset.done $0x0  }
0x82: {  	[sflag:s31] =	ssyncadd.s32 $0xFFFFFF60  }
0x83: {  	[spmem:s2] =	stream.indirect.scatter.add.f32 [tilespmem:s26], [sflag:$0x7], $0x80, s21, s23, $0xb8;
	[tilespmem:$0x1E400] =	vst v63  }
0x84: {  	_ =	swait.ge [sflag:s18], $0x5000  }
0x85: {  	s0 =	sadd.s32 $0x1, s0;
	[sflag:s18] =	ssyncset.done $0x0  }
0x86: {  	p0 =	sne.s32 s0, s12;
	[sflag:s18] =	ssyncadd.s32 $0xFFFFB000  }
.Ltmp1:
0x87: {  	[bflag:$0x0] =	sbarrier.arrive $0xFFFF;
	(pc) =	sbr.rel @p0 .LBB2_1-.Ltmp1, $4  }
0x88: {  	[hbm:s11], [sflag:s6] =	dma.local [spmem:s17], $0x2800  }
0x89: {  	_ =	swait.ge [sflag:s18], $0x2800  }
0x8a: {  	[sflag:s18] =	ssyncset.done $0x0  }
0x8b: {  	[sflag:s18] =	ssyncadd.s32 $0xFFFFD800  }
0x8c: {  	_ =	sfence.sel $0x180000  }
0x8d: {  	[bflag:$0x0] =	sbarrier.arrive $0xFFFF  }
0x8e: {  	_ =	strace $0x9000004D  }
0x8f: {  	s0 =	stileid.u32;
	[bflag:$0x2] =	sbarrier.arrive $0xFFFF  }
0x90: {  	p0 =	sne.s32 s0, $0x0;
	s0 =	rddreg [dreg:$0x4]  }
0x91: {  	s0 =	sadd.s32 @!p0 $0x100000, s0  }
0x92: {  	[sflag:s0] =	ssyncadd.tile.s32 @!p0 $0x1;
	_ =	shalt  }
.Lfunc_end2:
_tile_overlayer_lowered:
.L_overlay_start_2:
0x93: {  	(tag) =	ssettag $0x2  }
0x94: {  	s0 =	rddreg [dreg:$0x0];
	s2 =	stileid.u32  }
0x95: {  	s1 =	rddreg [dreg:$0x1];
	p0 =	sne.s32 s2, $0x0  }
0x96: {  	s3 =	rddreg [dreg:$0x2];
	[bflag:$0x3] =	sbarrier.arrive $0xFFFF;
	s2 =	simm.s32 @!p0 $0x1C07  }
0x97: {  	[timem:s3], [sflag:s2] =	dma.local @!p0 [hbm:s0], s1  }
0x98: {  	s0 =	simm.s32 @!p0 $0x7  }
0x99: {  	_ =	swait.ge @!p0 [sflag:s0], s1  }
0x9a: {  	s1 =	ssub.s32 @!p0 $0x0, s1;
	[sflag:s0] =	ssyncset.done @!p0 $0x0  }
0x9b: {  	[sflag:s0] =	ssyncadd.s32 @!p0 s1  }
0x9c: {  	[bflag:$0x3] =	sbarrier.arrive $0xFFFF  }
0x9d: {  	_ =	shalt  }

// kernel: kernel.19.cloned.1.call-start
scs
__scs_entry_jumppad:
0x0: {  	(pc) =	sbr.rel $0x88, $3  }
0x1: {  	(tag) =	ssettag $0x0;
	lr =	simm.s32 $0x1  }
0x2: {  	[smem:$0x3F9D] =	sst lr;
	_ =	strace $0xD0000000  }
0x3: {  	_ = 	snop  }
0x4: {  	_ = 	snop  }
0x5: {  	_ = 	snop  }
0x6: {  	_ = 	snop  }
0x7: {  	_ = 	snop  }
__scs_overlays_trampoline_lowered:
0x8: {  	[smem:$0x3FAC] =	sst s0  }
0x9: {  	[smem:$0x3FAD] =	sst s1  }
0xa: {  	[smem:$0x3FAE] =	sst s2  }
0xb: {  	[smem:$0x3FAF] =	sst s3  }
0xc: {  	[smem:$0x3FB0] =	sst s4  }
0xd: {  	[smem:$0x3FB1] =	sst s5  }
0xe: {  	[smem:$0x3FB2] =	sst s6  }
0xf: {  	[smem:$0x3FB3] =	sst s7  }
0x10: {  	[smem:$0x3FB4] =	sst s8  }
0x11: {  	[smem:$0x3FB5] =	sst s9;
	s0 =	simm.s32 @!p0 $0x0  }
0x12: {  	s1 =	sld [smem:$0x3F9B];
	s0 =	simm.s32 @p0 $0x1  }
0x13: {  	[smem:$0x3FB6] =	sst s0;
	s0 =	simm.s32 @!p1 $0x0  }
0x14: {  	s2 =	sld [smem:$0x3F9A];
	s0 =	simm.s32 @p1 $0x1  }
0x15: {  	[smem:$0x3FB7] =	sst s0;
	s0 =	simm.s32 @!p2 $0x0  }
0x16: {  	s3 =	sld [smem:$0x3FDB];
	s0 =	simm.s32 @p2 $0x1  }
0x17: {  	s4 =	simm.s32 $0x1BF5;
	[smem:$0x3FB9] =	sst s0  }
0x18: {  	s0 =	sld [smem:$0x3F9C];
	_ =	swait.ge [sflag:s4], $0x0  }
0x19: {  	s7 =	sld [smem:$0x3F9D]  }
0x1a: {  	s8 =	sadd.s32 $0xFFFFE003, lr  }
0x1b: {  	s9 =	sadd.s32 $0xFFFFFEF7, lr;
	s5 =	simm.s32 $0xFFFFFFFF;
	p2 =	slt.u32 s8, $0xFFFFF086  }
0x1c: {  	p1 =	slt.u32 s9, $0xF7A;
	s5 =	simm.s32 @!p2 $0x0  }
0x1d: {  	s5 =	simm.s32 @p1 $0x1;
	p0 =	seq.s32 s7, s2  }
0x1e: {  	s7 =	smul.u32 @!p0 $0xF7A, s2;
	p2 =	seq.s32 @!p0 s5, $0x0  }
0x1f: {  	s9 =	smul.u32 $0xF7A, s1;
	s8 =	simm.s32 @!p0 $0x1BF5;
	p2 =	por !p2, p0  }
0x20: {  	[sflag:s8] =	ssyncset.s32 @!p0 $0xFFFFF086;
	s6 =	sadd.s32 @!p0 s3, s7;
	s7 =	simm.s32 @!p0 $0x108  }
0x21: {  	s3 =	sadd.s32 s3, s9;
	s6 =	sadd.s32 @!p0 $0x88, s6;
	s7 =	simm.s32 @p2 $0x1082  }
0x22: {  	[simem:s7], [sflag:s8] =	dma.local @!p0 [hbm:s6], $0xF7A  }
0x23: {  	s9 =	sor.u32 $0xD0000000, s2;
	s6 =	simm.s32 $0x108;
	_ =	swait.ge @!p0 [sflag:s8], $0x0  }
0x24: {  	s3 =	sadd.s32 $0x88, s3;
	s6 =	simm.s32 @!p1 $0x1082;
	[sflag:s4] =	ssyncset.s32 $0xFFFFF086  }
0x25: {  	[simem:s6], [sflag:s4] =	dma.local [hbm:s3], $0xF7A  }
0x26: {  	[smem:$0x3F9D] =	sst s1;
	(tag) =	ssettag s2;
	_ =	strace s9  }
0x27: {  	s1 =	sld [smem:$0x3FAD]  }
0x28: {  	s2 =	sld [smem:$0x3FAE]  }
0x29: {  	s4 =	sld [smem:$0x3FB0]  }
0x2a: {  	p0 =	seq.s32 s5, $0x0;
	s5 =	sld [smem:$0x3FB1]  }
0x2b: {  	s6 =	sld [smem:$0x3FB2]  }
0x2c: {  	s7 =	sld [smem:$0x3FB3]  }
0x2d: {  	s3 =	simm.s32 $0x108;
	s8 =	sld [smem:$0x3FB4]  }
0x2e: {  	s3 =	simm.s32 @!p0 $0x1082;
	s9 =	sld [smem:$0x3FB5]  }
0x2f: {  	lr =	sadd.s32 s0, s3;
	s0 =	sld [smem:$0x3FAC]  }
0x30: {  	s3 =	sld [smem:$0x3FAF]  }
0x31: {  	[smem:$0x3FB8] =	sst s10  }
0x32: {  	s10 =	sld [smem:$0x3FB6];
	_ =	sdelay $0x3  }
0x33: {  	p0 =	seq.s32 s10, $0x1;
	s10 =	sld [smem:$0x3FB8];
	_ =	sdelay $0x3  }
0x34: {  	[smem:$0x3FB8] =	sst s10  }
0x35: {  	s10 =	sld [smem:$0x3FB7];
	_ =	sdelay $0x3  }
0x36: {  	p1 =	seq.s32 s10, $0x1;
	s10 =	sld [smem:$0x3FB8];
	_ =	sdelay $0x3  }
0x37: {  	[smem:$0x3FB8] =	sst s10  }
0x38: {  	s10 =	sld [smem:$0x3FB9]  }
0x39: {  	_ = 	snop;
	(pc) =	sbr.ind lr, $3  }
0x3a: {  	_ = 	snop  }
0x3b: {  	_ = 	snop  }
0x3c: {  	p2 =	seq.s32 s10, $0x1;
	s10 =	sld [smem:$0x3FB8]  }
0x3d: {  	_ =	shalt  }
0x3e: {  	_ =	shalt  }
0x3f: {  	_ =	shalt  }
0x40: {  	_ =	shalt  }
0x41: {  	_ =	shalt  }
0x42: {  	_ =	shalt  }
0x43: {  	_ =	shalt  }
0x44: {  	_ =	shalt  }
0x45: {  	_ =	shalt  }
0x46: {  	_ =	shalt  }
0x47: {  	_ =	shalt  }
0x48: {  	_ =	shalt  }
0x49: {  	_ =	shalt  }
0x4a: {  	_ =	shalt  }
0x4b: {  	_ =	shalt  }
0x4c: {  	_ =	shalt  }
0x4d: {  	_ =	shalt  }
0x4e: {  	_ =	shalt  }
0x4f: {  	_ =	shalt  }
0x50: {  	_ =	shalt  }
0x51: {  	_ =	shalt  }
0x52: {  	_ =	shalt  }
0x53: {  	_ =	shalt  }
0x54: {  	_ =	shalt  }
0x55: {  	_ =	shalt  }
0x56: {  	_ =	shalt  }
0x57: {  	_ =	shalt  }
0x58: {  	_ =	shalt  }
0x59: {  	_ =	shalt  }
0x5a: {  	_ =	shalt  }
0x5b: {  	_ =	shalt  }
0x5c: {  	_ =	shalt  }
0x5d: {  	_ =	shalt  }
0x5e: {  	_ =	shalt  }
0x5f: {  	_ =	shalt  }
0x60: {  	_ =	shalt  }
0x61: {  	_ =	shalt  }
0x62: {  	_ =	shalt  }
0x63: {  	_ =	shalt  }
0x64: {  	_ =	shalt  }
0x65: {  	_ =	shalt  }
0x66: {  	_ =	shalt  }
0x67: {  	_ =	shalt  }
0x68: {  	_ =	shalt  }
0x69: {  	_ =	shalt  }
0x6a: {  	_ =	shalt  }
0x6b: {  	_ =	shalt  }
0x6c: {  	_ =	shalt  }
0x6d: {  	_ =	shalt  }
0x6e: {  	_ =	shalt  }
0x6f: {  	_ =	shalt  }
0x70: {  	_ =	shalt  }
0x71: {  	_ =	shalt  }
0x72: {  	_ =	shalt  }
0x73: {  	_ =	shalt  }
0x74: {  	_ =	shalt  }
0x75: {  	_ =	shalt  }
0x76: {  	_ =	shalt  }
0x77: {  	_ =	shalt  }
0x78: {  	_ =	shalt  }
0x79: {  	_ =	shalt  }
0x7a: {  	_ =	shalt  }
0x7b: {  	_ =	shalt  }
0x7c: {  	_ =	shalt  }
0x7d: {  	_ =	shalt  }
0x7e: {  	_ =	shalt  }
0x7f: {  	_ =	shalt  }
0x80: {  	_ =	shalt  }
0x81: {  	_ =	shalt  }
0x82: {  	_ =	shalt  }
0x83: {  	_ =	shalt  }
0x84: {  	_ =	shalt  }
0x85: {  	_ =	shalt  }
0x86: {  	_ =	shalt  }
0x87: {  	_ =	shalt  }
.Lfunc_end0:
.L_simem_size_0:
called_computation.3_lowered:
.L_overlay_start_0:
0x88: {  	s2 =	sld [smem:$0x3FD9]  }
0x89: {  	s3 =	sld [smem:$0x3FFE];
	_ =	sdelay $0x1  }
0x8a: {  	s1 =	srdreg.scid  }
0x8b: {  	s0 =	sand.u32 $0x1, s1  }
0x8c: {  	s14 =	sshll.u32 s0, $0xA;
	s2 =	sadd.s32 s3, s2  }
0x8d: {  	s2 =	sadd.s32 s2, s14  }
0x8e: {  	[smem:$0x3FC4] =	sst s2  }
0x8f: {  	_ = 	snop  }
0x90: {  	s2 =	sld [smem:$0x3FD0];
	_ =	sdelay $0x2  }
0x91: {  	s15 =	simm.s32 $0xA;
	s4 =	simm.s32 $0x10  }
0x92: {  	[smem:s4], [sflag:s15] =	dma.local [hbm:s2], $0x1  }
0x93: {  	_ =	swait.eq [sflag:s15], $0x1  }
0x94: {  	[sflag:s15] =	ssyncset.done $0x0  }
0x95: {  	s16 =	sld [smem:$0x10];
	[sflag:s15] =	ssyncadd.s32 $0xFFFFFFFF  }
0x96: {  	s17 =	sld [smem:$0x11];
	(tm) =	ssettm $0x1  }
0x97: {  	s18 =	sld [smem:$0x3FFB];
	_ =	sdelay $0x3  }
0x98: {  	_ =	strace s18  }
0x99: {  	s4 =	sld [smem:$0x3FFC];
	_ =	sdelay $0x3  }
0x9a: {  	_ =	strace s4  }
0x9b: {  	s4 =	sld [smem:$0x3FFD];
	_ =	sdelay $0x3  }
0x9c: {  	_ =	strace s4  }
0x9d: {  	_ =	strace $0x8FFFFFFF  }
0x9e: {  	s19 =	sld [smem:$0x3FDB];
	_ =	sdelay $0x1  }
0x9f: {  	s5 =	simm.s32 $_scs_section_size  }
0xa0: {  	s6 =	simm.s32 $_size__tile_overlayer_lowered;
	s7 =	simm.s32 $_tile_overlayer_lowered  }
0xa1: {  	s22 =	simm.s32 $0x1BFF;
	s21 =	sshll.u32 s7, $0x1;
	s4 =	sadd.s32 s5, s19  }
0xa2: {  	s8 =	simm.s32 $0x0;
	s20 =	sshll.u32 s6, $0x1;
	s6 =	sadd.s32 s21, s4  }
0xa3: {  	[timem:s8], [sflag:s22] =	dma.local [hbm:s6], s20  }
0xa4: {  	_ =	swait.ge [sflag:s22], s20  }
0xa5: {  	s5 =	ssub.s32 $0x0, s20;
	[sflag:s22] =	ssyncset.done $0x0  }
0xa6: {  	[sflag:s22] =	ssyncadd.s32 s5;
	_ =	sdelay $0x1  }
0xa7: {  	s23 =	simm.s32 $0x1B8B  }
0xa8: {  	_ =	swait.ge [sflag:s23], $0x1  }
0xa9: {  	[sflag:s23] =	ssyncset.done $0x0  }
0xaa: {  	s25 =	simm.s32 $0x1B8E;
	s24 =	sld [smem:$0x3FFE];
	[sflag:s23] =	ssyncadd.s32 $0xFFFFFFFF  }
0xab: {  	s26 =	simm.s32 $execute0_lowered;
	[smem:$0x3FD2] =	sst s25  }
0xac: {  	s6 =	sshll.u32 s26, $0x1;
	_ =	strace $0x8000004F;
	[dreg:$0x1] =	wrdreg $0xFFFFFFFF  }
0xad: {  	s28 =	simm.s32 $_size_execute0_lowered;
	s4 =	sadd.s32 s4, s6;
	[dreg:$0x0] =	wrdreg $0x0  }
0xae: {  	s6 =	sshll.u32 s28, $0x1;
	[dreg:$0x2] =	wrdreg s4  }
0xaf: {  	[dreg:$0x3] =	wrdreg s6  }
0xb0: {  	[dreg:$0x4] =	wrdreg $0xC0  }
0xb1: {  	_ =	task [dreg:s8], $0x5FFFF  }
0xb2: {  	[dreg:$0x1] =	wrdreg $0xFFFFFFFF  }
0xb3: {  	[dreg:$0x0] =	wrdreg $0x60  }
0xb4: {  	[dreg:$0x2] =	wrdreg s17  }
0xb5: {  	[dreg:$0x3] =	wrdreg s16  }
0xb6: {  	[dreg:$0x4] =	wrdreg s24  }
0xb7: {  	[dreg:$0x5] =	wrdreg $0xA4000  }
0xb8: {  	[dreg:$0x6] =	wrdreg $0x9  }
0xb9: {  	_ =	task.clear_ibuf [dreg:s8], $0x7FFFF;
	_ =	strace $0x9000004F  }
0xba: {  	s29 =	simm.s32 $0x9;
	_ =	strace $0x80000051  }
0xbb: {  	_ =	swait.ge [sflag:s29], $0x1  }
0xbc: {  	[sflag:s29] =	ssyncadd.s32 $0xFFFFFFFF  }
0xbd: {  	_ =	strace $0x90000051  }
0xbe: {  	_ =	sfence  }
0xbf: {  	s30 =	sld [smem:$0x0];
	_ =	sdelay $0x2  }
0xc0: {  	s31 =	sshll.u32 s1, $0xD;
	s1 =	sshrl.u32 s1, $0x2  }
0xc1: {  	s3 =	sand.u32 $0x4000, s31;
	s1 =	sadd.s32 s1, s30  }
0xc2: {  	s0 =	sor.u32 s3, s0;
	s1 =	sshll.u32 s1, $0x11  }
0xc3: {  	s0 =	sor.u32 s1, s0  }
0xc4: {  	s0 =	sadd.s32 $0x8F2B, s0  }
0xc5: {  	[sflag:s0] =	ssyncadd.remote.s32 $0x1  }
0xc6: {  	_ =	sfence.sel $0xFFFF  }
0xc7: {  	[dreg:$0x0] =	wrdreg $0xFFFFFFFF;
	(pc) =	sbr.abs _section_cstart, $3  }
0xc8: {  	[dreg:$0x1] =	wrdreg $0xFFFFFFFF  }
0xc9: {  	_ =	task.clear_ibuf [dreg:s8], $0x2FFFF;
	_ =	strace $0x9FFFFFFF  }
0xca: {  	(tm) =	ssettm $0x7FFFFFFF  }
0xcb: {  	_ =	shalt  }
tec
execute0_lowered:
.L_overlay_start_1:
0x0: {  	(tag) =	ssettag $0x1  }
0x1: {  	s0 =	rddreg [dreg:$0x0]  }
0x2: {  	s1 =	rddreg [dreg:$0x1]  }
0x3: {  	s5 =	rddreg [dreg:$0x2]  }
0x4: {  	s2 =	rddreg [dreg:$0x3]  }
0x5: {  	s13 =	stileid.u32;
	s4 =	srdreg.scid;
	s3 =	simm.s32 $0x0  }
0x6: {  	s28 =	simm.s32 $0x5;
	s29 =	simm.s32 $0x2;
	s30 =	simm.s32 $0x6  }
0x7: {  	s31 =	simm.s32 $0x4;
	s6 =	smul.u32 $0x2800, s13;
	s7 =	sand.u32 $0x1, s4  }
0x8: {  	[smem:$0x7FF] =	sst s3;
	s4 =	sadd.s32 $0x2AA00, s5;
	s17 =	smul.u32 $0x50000, s13  }
0x9: {  	s10 =	sshll.u32 s13, $0x1;
	s21 =	smul.u32 $0x5000, s13;
	s22 =	sshll.u32 s13, $0x6  }
0xa: {  	s8 =	smul.u32 $0x28000, s7;
	_ =	strace $0x80000050;
	s18 =	ssub.s32 $0x2, s7  }
0xb: {  	s19 =	sor.u32 s7, s10;
	s14 =	smul.u32 $0x2800, s7;
	s9 =	sadd.s32 s6, s5  }
0xc: {  	s20 =	sshrl.u32 s18, $0x1;
	s6 =	sadd.s32 s6, s8;
	s8 =	sshrl.u32 s17, $0x2  }
0xd: {  	s12 =	ssub.s32 s18, s20;
	s24 =	sadd.s32 $0x2A00, s9;
	s14 =	sadd.s32 s14, s21  }
0xe: {  	s18 =	simm.s32 $0x7;
	s20 =	simm.s32 $0x200;
	s21 =	simm.s32 $0x300  }
0xf: {  	s11 =	sadd.s32 s6, s5;
	s6 =	smul.u32 $0x2800, s19;
	s17 =	sadd.s32 s8, s2  }
0x10: {  	[dreg:$0x5] =	wrdreg s24;
	s26 =	sor.u32 $0x1E0, s14;
	s14 =	sor.u32 $0x140, s14  }
0x11: {  	s12 =	smax.u32 s12, $0x1;
	s19 =	simm.s32 $0x100;
	s24 =	simm.s32 $0x400  }
0x12: {  	s11 =	sadd.s32 $0x52A00, s11;
	s15 =	sshrl.u32 s26, $0x3;
	s16 =	sshrl.u32 s14, $0x3  }
0x13: {  	s17 =	sshrl.u32 s17, $0x3;
	s26 =	simm.s32 $0x5400;
	s23 =	sshrl.u32 s6, $0x3  }
0x14: {  	s6 =	sor.u32 $0x1C07, s22;
	s14 =	sadd.s32 s15, s1;
	s22 =	simm.s32 $0x1  }
0x15: {  	s25 =	sadd.s32 s1, s23;
	s8 =	sadd.s32 s0, s23;
	s13 =	sor.u32 $0x14, s23  }
0x16: {  	s23 =	simm.s32 $0xA0;
	[dreg:$0x6] =	wrdreg s25;
	s9 =	sadd.s32 s1, s13  }
0x17: {  	s10 =	sadd.s32 s0, s13;
	s13 =	sadd.s32 s15, s0;
	s15 =	sadd.s32 s16, s0  }
0x18: {  	s16 =	sadd.s32 s16, s1;
	s25 =	simm.s32 $0x3;
	s0 =	simm.s32 $0x0  }
.LBB2_1:
0x19: {  	s1 =	rddreg [dreg:$0x5]  }
0x1a: {  	[spmem:s17], [sflag:s6] =	dma.local [hbm:s1], $0x2800  }
0x1b: {  	_ =	swait.ge [sflag:s18], $0x2800  }
0x1c: {  	[sflag:s18] =	ssyncset.done $0x0  }
0x1d: {  	s7 =	rddreg [dreg:$0x6];
	[sflag:s18] =	ssyncadd.s32 $0xFFFFD800  }
0x1e: {  	[tilespmem:s3], [sflag:$0x1] =	stream.linear.gather [hbm4b:s7+s3], $0xA0, $0x38;
	[tilespmem:$0x1E400] =	vst v63  }
0x1f: {  	_ = 	snop  }
0x20: {  	[tilespmem:s19], [sflag:$0x2] =	stream.linear.gather [hbm4b:s8+s3], $0xA0, $0x38;
	[tilespmem:$0x1E400] =	vst v63  }
0x21: {  	_ = 	snop  }
0x22: {  	[tilespmem:s20], [sflag:$0x3] =	stream.linear.gather [hbm4b:s9+s3], $0xA0, $0x38;
	[tilespmem:$0x1E400] =	vst v63  }
0x23: {  	_ = 	snop  }
0x24: {  	[tilespmem:s21], [sflag:$0x4] =	stream.linear.gather [hbm4b:s10+s3], $0xA0, $0x38;
	[tilespmem:$0x1E400] =	vst v63  }
0x25: {  	_ =	swait.ge [sflag:s22], $0xA0  }
0x26: {  	[sflag:s22] =	ssyncset.done $0x0  }
0x27: {  	[sflag:s22] =	ssyncadd.s32 $0xFFFFFF60  }
0x28: {  	[tilespmem:s24], [sflag:$0x5] =	stream.indirect.gather [hbm4b:s4+s23], $0x80, s3, s23, $0xb8;
	[tilespmem:$0x1E400] =	vst v63  }
0x29: {  	_ =	swait.ge [sflag:s25], $0xA0  }
0x2a: {  	[sflag:s25] =	ssyncset.done $0x0  }
0x2b: {  	[sflag:s25] =	ssyncadd.s32 $0xFFFFFF60  }
0x2c: {  	[tilespmem:s26], [sflag:$0x6] =	stream.indirect.gather [hbm4b:s4+s23], $0x80, s20, s23, $0xb8;
	[tilespmem:$0x1E400] =	vst v63  }
0x2d: {  	[bflag:$0x0] =	sbarrier.arrive $0xFFFF  }
0x2e: {  	_ =	swait.ge [sflag:s28], $0x5000  }
0x2f: {  	[sflag:s28] =	ssyncset.done $0x0  }
0x30: {  	[sflag:s28] =	ssyncadd.s32 $0xFFFFB000  }
0x31: {  	_ =	swait.ge [sflag:s29], $0xA0  }
0x32: {  	[sflag:s29] =	ssyncset.done $0x0  }
0x33: {  	[sflag:s29] =	ssyncadd.s32 $0xFFFFFF60  }
0x34: {  	[spmem:s2] =	stream.indirect.scatter.add.f32 [tilespmem:s24], [sflag:$0x7], $0x80, s19, s23, $0xb8;
	[tilespmem:$0x1E400] =	vst v63  }
0x35: {  	_ =	swait.ge [sflag:s18], $0x5000  }
0x36: {  	[sflag:s18] =	ssyncset.done $0x0  }
0x37: {  	s5 =	sadd.s32 $0x0, s16;
	[sflag:s18] =	ssyncadd.s32 $0xFFFFB000  }
0x38: {  	[tilespmem:s3], [sflag:$0x1] =	stream.linear.gather [hbm4b:s5+s3], $0xA0, $0x38;
	[tilespmem:$0x1E400] =	vst v63  }
0x39: {  	s7 =	sadd.s32 $0x0, s15  }
0x3a: {  	[tilespmem:s19], [sflag:$0x2] =	stream.linear.gather [hbm4b:s7+s3], $0xA0, $0x38;
	[tilespmem:$0x1E400] =	vst v63  }
0x3b: {  	_ =	swait.ge [sflag:s22], $0xA0  }
0x3c: {  	[sflag:s22] =	ssyncset.done $0x0  }
0x3d: {  	[sflag:s22] =	ssyncadd.s32 $0xFFFFFF60  }
0x3e: {  	[tilespmem:s24], [sflag:$0x5] =	stream.indirect.gather [hbm4b:s4+s23], $0x80, s3, s23, $0xb8;
	[tilespmem:$0x1E400] =	vst v63  }
0x3f: {  	_ =	swait.ge [sflag:s30], $0x5000  }
0x40: {  	[sflag:s30] =	ssyncset.done $0x0  }
0x41: {  	[sflag:s30] =	ssyncadd.s32 $0xFFFFB000  }
0x42: {  	_ =	swait.ge [sflag:s31], $0xA0  }
0x43: {  	[sflag:s31] =	ssyncset.done $0x0  }
0x44: {  	[sflag:s31] =	ssyncadd.s32 $0xFFFFFF60  }
0x45: {  	[spmem:s2] =	stream.indirect.scatter.add.f32 [tilespmem:s26], [sflag:$0x7], $0x80, s21, s23, $0xb8;
	[tilespmem:$0x1E400] =	vst v63  }
0x46: {  	_ =	swait.ge [sflag:s18], $0x5000  }
0x47: {  	[sflag:s18] =	ssyncset.done $0x0  }
0x48: {  	s5 =	sadd.s32 $0x0, s14;
	[sflag:s18] =	ssyncadd.s32 $0xFFFFB000  }
0x49: {  	[tilespmem:s20], [sflag:$0x3] =	stream.linear.gather [hbm4b:s5+s3], $0xA0, $0x38;
	[tilespmem:$0x1E400] =	vst v63  }
0x4a: {  	s7 =	sadd.s32 $0x0, s13  }
0x4b: {  	[tilespmem:s21], [sflag:$0x4] =	stream.linear.gather [hbm4b:s7+s3], $0xA0, $0x38;
	[tilespmem:$0x1E400] =	vst v63  }
0x4c: {  	_ =	swait.ge [sflag:s25], $0xA0  }
0x4d: {  	[sflag:s25] =	ssyncset.done $0x0  }
0x4e: {  	s1 =	simm.s32 $0x28;
	[sflag:s25] =	ssyncadd.s32 $0xFFFFFF60  }
.LBB2_2:
0x4f: {  	[tilespmem:s26], [sflag:$0x6] =	stream.indirect.gather [hbm4b:s4+s23], $0x80, s20, s23, $0xb8;
	[tilespmem:$0x1E400] =	vst v63  }
0x50: {  	s5 =	smov.u32 s1  }
0x51: {  	p0 =	sne.s32 s1, $0x4B0;
	s1 =	sadd.s32 $0x28, s1;
	_ =	swait.ge [sflag:s28], $0x5000  }
0x52: {  	[sflag:s28] =	ssyncset.done $0x0  }
0x53: {  	[sflag:s28] =	ssyncadd.s32 $0xFFFFB000  }
0x54: {  	_ =	swait.ge [sflag:s29], $0xA0  }
0x55: {  	[sflag:s29] =	ssyncset.done $0x0  }
0x56: {  	[sflag:s29] =	ssyncadd.s32 $0xFFFFFF60  }
0x57: {  	[spmem:s2] =	stream.indirect.scatter.add.f32 [tilespmem:s24], [sflag:$0x7], $0x80, s19, s23, $0xb8;
	[tilespmem:$0x1E400] =	vst v63  }
0x58: {  	_ =	swait.ge [sflag:s18], $0x5000  }
0x59: {  	[sflag:s18] =	ssyncset.done $0x0  }
0x5a: {  	s7 =	sadd.s32 s5, s16;
	[sflag:s18] =	ssyncadd.s32 $0xFFFFB000  }
0x5b: {  	[tilespmem:s3], [sflag:$0x1] =	stream.linear.gather [hbm4b:s7+s3], $0xA0, $0x38;
	[tilespmem:$0x1E400] =	vst v63  }
0x5c: {  	s7 =	sadd.s32 s5, s15  }
0x5d: {  	[tilespmem:s19], [sflag:$0x2] =	stream.linear.gather [hbm4b:s7+s3], $0xA0, $0x38;
	[tilespmem:$0x1E400] =	vst v63  }
0x5e: {  	_ =	swait.ge [sflag:s22], $0xA0  }
0x5f: {  	[sflag:s22] =	ssyncset.done $0x0  }
0x60: {  	[sflag:s22] =	ssyncadd.s32 $0xFFFFFF60  }
0x61: {  	[tilespmem:s24], [sflag:$0x5] =	stream.indirect.gather [hbm4b:s4+s23], $0x80, s3, s23, $0xb8;
	[tilespmem:$0x1E400] =	vst v63  }
0x62: {  	_ =	swait.ge [sflag:s30], $0x5000  }
0x63: {  	[sflag:s30] =	ssyncset.done $0x0  }
0x64: {  	[sflag:s30] =	ssyncadd.s32 $0xFFFFB000  }
0x65: {  	_ =	swait.ge [sflag:s31], $0xA0  }
0x66: {  	[sflag:s31] =	ssyncset.done $0x0  }
0x67: {  	[sflag:s31] =	ssyncadd.s32 $0xFFFFFF60  }
0x68: {  	[spmem:s2] =	stream.indirect.scatter.add.f32 [tilespmem:s26], [sflag:$0x7], $0x80, s21, s23, $0xb8;
	[tilespmem:$0x1E400] =	vst v63  }
0x69: {  	_ =	swait.ge [sflag:s18], $0x5000  }
0x6a: {  	[sflag:s18] =	ssyncset.done $0x0  }
0x6b: {  	s7 =	sadd.s32 s5, s14;
	[sflag:s18] =	ssyncadd.s32 $0xFFFFB000  }
0x6c: {  	[tilespmem:s20], [sflag:$0x3] =	stream.linear.gather [hbm4b:s7+s3], $0xA0, $0x38;
	[tilespmem:$0x1E400] =	vst v63  }
.Ltmp0:
0x6d: {  	s5 =	sadd.s32 s5, s13;
	(pc) =	sbr.rel @p0 .LBB2_2-.Ltmp0, $4  }
0x6e: {  	[tilespmem:s21], [sflag:$0x4] =	stream.linear.gather [hbm4b:s5+s3], $0xA0, $0x38;
	[tilespmem:$0x1E400] =	vst v63  }
0x6f: {  	_ =	swait.ge [sflag:s25], $0xA0  }
0x70: {  	[sflag:s25] =	ssyncset.done $0x0  }
0x71: {  	[sflag:s25] =	ssyncadd.s32 $0xFFFFFF60  }
0x72: {  	[tilespmem:s26], [sflag:$0x6] =	stream.indirect.gather [hbm4b:s4+s23], $0x80, s20, s23, $0xb8;
	[tilespmem:$0x1E400] =	vst v63  }
0x73: {  	_ =	swait.ge [sflag:s28], $0x5000  }
0x74: {  	[sflag:s28] =	ssyncset.done $0x0  }
0x75: {  	[sflag:s28] =	ssyncadd.s32 $0xFFFFB000  }
0x76: {  	_ =	swait.ge [sflag:s29], $0xA0  }
0x77: {  	[sflag:s29] =	ssyncset.done $0x0  }
0x78: {  	[sflag:s29] =	ssyncadd.s32 $0xFFFFFF60  }
0x79: {  	[spmem:s2] =	stream.indirect.scatter.add.f32 [tilespmem:s24], [sflag:$0x7], $0x80, s19, s23, $0xb8;
	[tilespmem:$0x1E400] =	vst v63  }
0x7a: {  	_ =	swait.ge [sflag:s18], $0x5000  }
0x7b: {  	[sflag:s18] =	ssyncset.done $0x0  }
0x7c: {  	[sflag:s18] =	ssyncadd.s32 $0xFFFFB000  }
0x7d: {  	_ =	swait.ge [sflag:s30], $0x5000  }
0x7e: {  	[sflag:s30] =	ssyncset.done $0x0  }
0x7f: {  	[sflag:s30] =	ssyncadd.s32 $0xFFFFB000  }
0x80: {  	_ =	swait.ge [sflag:s31], $0xA0  }
0x81: {  	[sflag:s31] =	ssyncset.done $0x0  }
0x82: {  	[sflag:s31] =	ssyncadd.s32 $0xFFFFFF60  }
0x83: {  	[spmem:s2] =	stream.indirect.scatter.add.f32 [tilespmem:s26], [sflag:$0x7], $0x80, s21, s23, $0xb8;
	[tilespmem:$0x1E400] =	vst v63  }
0x84: {  	_ =	swait.ge [sflag:s18], $0x5000  }
0x85: {  	s0 =	sadd.s32 $0x1, s0;
	[sflag:s18] =	ssyncset.done $0x0  }
0x86: {  	p0 =	sne.s32 s0, s12;
	[sflag:s18] =	ssyncadd.s32 $0xFFFFB000  }
.Ltmp1:
0x87: {  	[bflag:$0x0] =	sbarrier.arrive $0xFFFF;
	(pc) =	sbr.rel @p0 .LBB2_1-.Ltmp1, $4  }
0x88: {  	[hbm:s11], [sflag:s6] =	dma.local [spmem:s17], $0x2800  }
0x89: {  	_ =	swait.ge [sflag:s18], $0x2800  }
0x8a: {  	[sflag:s18] =	ssyncset.done $0x0  }
0x8b: {  	[sflag:s18] =	ssyncadd.s32 $0xFFFFD800  }
0x8c: {  	_ =	sfence.sel $0x180000  }
0x8d: {  	[bflag:$0x0] =	sbarrier.arrive $0xFFFF  }
0x8e: {  	_ =	strace $0x90000050  }
0x8f: {  	s0 =	stileid.u32;
	[bflag:$0x2] =	sbarrier.arrive $0xFFFF  }
0x90: {  	p0 =	sne.s32 s0, $0x0;
	s0 =	rddreg [dreg:$0x4]  }
0x91: {  	s0 =	sadd.s32 @!p0 $0x100000, s0  }
0x92: {  	[sflag:s0] =	ssyncadd.tile.s32 @!p0 $0x1;
	_ =	shalt  }
.Lfunc_end2:
_tile_overlayer_lowered:
.L_overlay_start_2:
0x93: {  	(tag) =	ssettag $0x2  }
0x94: {  	s0 =	rddreg [dreg:$0x0];
	s2 =	stileid.u32  }
0x95: {  	s1 =	rddreg [dreg:$0x1];
	p0 =	sne.s32 s2, $0x0  }
0x96: {  	s3 =	rddreg [dreg:$0x2];
	[bflag:$0x3] =	sbarrier.arrive $0xFFFF;
	s2 =	simm.s32 @!p0 $0x1C07  }
0x97: {  	[timem:s3], [sflag:s2] =	dma.local @!p0 [hbm:s0], s1  }
0x98: {  	s0 =	simm.s32 @!p0 $0x7  }
0x99: {  	_ =	swait.ge @!p0 [sflag:s0], s1  }
0x9a: {  	s1 =	ssub.s32 @!p0 $0x0, s1;
	[sflag:s0] =	ssyncset.done @!p0 $0x0  }
0x9b: {  	[sflag:s0] =	ssyncadd.s32 @!p0 s1  }
0x9c: {  	[bflag:$0x3] =	sbarrier.arrive $0xFFFF  }
0x9d: {  	_ =	shalt  }

</sc_bundles>
